<compile_context>
chip_gen: v7x
topology: tpu7x:2x2x1
jax: 0.10.2.dev20260603
libtpu: 0.0.44.dev20260713+nightly
codegen_flags: <defaults>
</compile_context>

<pallas_src>
import functools

import jax
import jax.numpy as jnp
from jax import lax
from jax.experimental import pallas as pl
from jax.experimental.pallas import tpu as pltpu
from jax.experimental.pallas import tpu_sc as plsc

_TB = 4096


def _top2f(v, e):
    b = v.shape[0]
    iota_f = lax.broadcasted_iota(jnp.int32, (b, e), 1).astype(jnp.float32)
    m1 = jnp.max(v, axis=1, keepdims=True)
    i1f = jnp.min(jnp.where(v == m1, iota_f, float(e)), axis=1)
    v2 = jnp.where(iota_f == i1f[:, None], -jnp.inf, v)
    m2 = jnp.max(v2, axis=1, keepdims=True)
    i2f = jnp.min(jnp.where(v2 == m2, iota_f, float(e)), axis=1)
    return m1, i1f, m2, i2f, iota_f


def _hist_body(probs_ref, hist_ref, minmax_ref):
    v = probs_ref[...]
    b, e = v.shape
    _, i1f, _, i2f, iota_f = _top2f(v, e)
    oh = (iota_f == i1f[:, None]).astype(jnp.float32) + (
        iota_f == i2f[:, None]
    ).astype(jnp.float32)
    hist_ref[...] = jnp.sum(oh.reshape(b // 64, 64, e), axis=1)
    minmax_ref[...] = jnp.concatenate(
        [jnp.min(v)[None, None], jnp.max(v)[None, None]], axis=1
    )[None]


def _dest_body(
    probs_ref, hist_ref, minmax_ref, ei_ref, rw_ref, de_ref, do_ref, start_s, flag_s
):
    b, e = probs_ref.shape
    g = b // 64
    gtot = hist_ref.shape[0]
    pid = pl.program_id(0)

    @pl.when(pid == 0)
    def _init():
        bh = hist_ref[...]
        x = bh
        k = 1
        while k < gtot:
            x = x + jnp.concatenate(
                [jnp.zeros((k, e), jnp.float32), x[:-k]], axis=0
            )
            k *= 2
        excl_grp = x - bh
        totals = x[gtot - 1 :, :]
        y = totals
        k = 1
        while k < e:
            y = y + jnp.concatenate(
                [jnp.zeros((1, k), jnp.float32), y[:, :-k]], axis=1
            )
            k *= 2
        start_s[...] = excl_grp + (y - totals)
        mm = minmax_ref[...]
        flag_s[0] = (
            (jnp.min(mm[:, :, 0]) < 0.0) | (jnp.max(mm[:, :, 1]) > 1.0)
        ).astype(jnp.int32)

    v = probs_ref[...]
    m1, i1f, m2, i2f, iota_f = _top2f(v, e)

    needs_softmax = flag_s[0] == 1
    v1s = m1[:, 0]
    v2s = m2[:, 0]
    e2v = jnp.exp(v2s - v1s)
    s = v1s + v2s
    w1 = jnp.where(needs_softmax, 1.0 / (1.0 + e2v), v1s / s)
    w2 = 1.0 - w1
    ei_ref[...] = jnp.concatenate(
        [i1f[:, None], i2f[:, None]], axis=1
    ).astype(jnp.int32)
    rw_ref[...] = jnp.concatenate([w1[:, None], w2[:, None]], axis=1)

    oh1 = (iota_f == i1f[:, None]).astype(jnp.float32)
    oh2 = (iota_f == i2f[:, None]).astype(jnp.float32)
    ohs = (oh1 + oh2).reshape(g, 64, e)

    x = ohs
    k = 1
    while k < 64:
        x = x + jnp.concatenate(
            [jnp.zeros((g, k, e), jnp.float32), x[:, :-k, :]], axis=1
        )
        k *= 2
    excl_tok = x - ohs

    start = start_s[pl.ds(pid * g, g), :]
    slot = excl_tok + start[:, None, :]
    de = jnp.sum(slot * oh1.reshape(g, 64, e), axis=2)
    do = jnp.sum(slot * oh2.reshape(g, 64, e), axis=2) + (i1f == i2f).astype(
        jnp.float32
    ).reshape(g, 64)
    de_ref[...] = de.astype(jnp.int32)
    do_ref[...] = do.astype(jnp.int32)


def _routing_tc(router_probs):
    b, e = router_probs.shape
    nblk = b // _TB
    gpb = _TB // 64
    gtot = b // 64
    hist, minmax = pl.pallas_call(
        _hist_body,
        grid=(nblk,),
        in_specs=[pl.BlockSpec((_TB, e), lambda i: (i, 0))],
        out_specs=[
            pl.BlockSpec((gpb, e), lambda i: (i, 0)),
            pl.BlockSpec((1, 1, 2), lambda i: (i, 0, 0)),
        ],
        out_shape=[
            jax.ShapeDtypeStruct((gtot, e), jnp.float32),
            jax.ShapeDtypeStruct((nblk, 1, 2), jnp.float32),
        ],
    )(router_probs)
    return pl.pallas_call(
        _dest_body,
        grid=(nblk,),
        in_specs=[
            pl.BlockSpec((_TB, e), lambda i: (i, 0)),
            pl.BlockSpec((gtot, e), lambda i: (0, 0)),
            pl.BlockSpec((nblk, 1, 2), lambda i: (0, 0, 0)),
        ],
        out_specs=[
            pl.BlockSpec((_TB, 2), lambda i: (i, 0)),
            pl.BlockSpec((_TB, 2), lambda i: (i, 0)),
            pl.BlockSpec((gpb, 64), lambda i: (i, 0)),
            pl.BlockSpec((gpb, 64), lambda i: (i, 0)),
        ],
        out_shape=[
            jax.ShapeDtypeStruct((b, 2), jnp.int32),
            jax.ShapeDtypeStruct((b, 2), jnp.float32),
            jax.ShapeDtypeStruct((gtot, 64), jnp.int32),
            jax.ShapeDtypeStruct((gtot, 64), jnp.int32),
        ],
        scratch_shapes=[
            pltpu.VMEM((gtot, e), jnp.float32),
            pltpu.SMEM((1,), jnp.int32),
        ],
    )(router_probs, hist, minmax)


def _make_dispatch(b, d):
    nw = 32
    ch_t = b // nw
    rb = 64
    nblk = ch_t // rb
    mesh = plsc.VectorSubcoreMesh(core_axis_name="c", subcore_axis_name="s")

    @functools.partial(
        pl.kernel,
        mesh=mesh,
        out_type=jax.ShapeDtypeStruct((2 * b, d), jnp.float32),
        scratch_types=[
            pltpu.VMEM((nblk, rb), jnp.int32),
            pltpu.VMEM((nblk, rb), jnp.int32),
            pltpu.VMEM((rb, d), jnp.float32),
            pltpu.SemaphoreType.DMA,
        ],
    )
    def dispatch(hid_hbm, de_hbm, do_hbm, out_hbm, de_v, do_v, rows_v, sem):
        wid = lax.axis_index("s") * 2 + lax.axis_index("c")
        g0 = wid * nblk
        pltpu.sync_copy(de_hbm.at[pl.ds(g0, nblk)], de_v)
        pltpu.sync_copy(do_hbm.at[pl.ds(g0, nblk)], do_v)
        tok0 = wid * ch_t

        def blk(kk, carry):
            pltpu.sync_copy(hid_hbm.at[pl.ds(tok0 + kk * rb, rb)], rows_v)
            cpe = pltpu.async_copy(rows_v, out_hbm.at[de_v.at[kk]], sem)
            cpo = pltpu.async_copy(rows_v, out_hbm.at[do_v.at[kk]], sem)
            cpe.wait()
            cpo.wait()
            return carry

        lax.fori_loop(0, nblk, blk, 0)

    return dispatch


def kernel(hidden_states, router_probs, top_k):
    b, d = hidden_states.shape
    expert_indices, routing_weights, de, do = _routing_tc(router_probs)
    dispatch = _make_dispatch(b, d)
    dispatched = dispatch(hidden_states, de, do)
    return dispatched, expert_indices, routing_weights

# --- scband reference (transcript-rebuilt; emitter-appended) ---
"""Pipeline reference for scband-batched-expert-dispatch-63668595196397 (READ-ONLY COPY).

The authoritative reference and input builder live on the scoring server;
editing this copy changes nothing except your own understanding.
"""

import jax, jax.numpy as jnp
import numpy as np


def setup_inputs(seed: int = 0) -> dict:
    key = jax.random.key(seed)
    k1, k2 = jax.random.split(key)
    hidden_states = jax.random.normal(k1, (32768, 1024), dtype=jnp.float32)
    router_probs = jax.random.normal(k2, (32768, 64), dtype=jnp.float32)
    return {"hidden_states": hidden_states, "router_probs": router_probs, "top_k": 2}


def reference(hidden_states, router_probs, top_k):
    # Faithful translation of BatchedExpertDispatch.dispatch (use_permutation=True)
    batch_size, hidden_dim = hidden_states.shape
    # torch: if router_probs.min() < 0 or router_probs.max() > 1 -> softmax
    needs_softmax = (jnp.min(router_probs) < 0.0) | (jnp.max(router_probs) > 1.0)
    router_probs = jnp.where(
        needs_softmax, jax.nn.softmax(router_probs, axis=-1), router_probs
    )
    top_k_static = 2
    routing_weights, expert_indices = jax.lax.top_k(router_probs, top_k_static)
    routing_weights = routing_weights / jnp.sum(routing_weights, axis=-1, keepdims=True)
    # _dispatch_permutation
    total_assignments = batch_size * top_k
    flat_expert_ids = expert_indices.reshape(-1)
    positions = jnp.arange(batch_size * top_k_static, dtype=flat_expert_ids.dtype)
    sort_keys = flat_expert_ids * total_assignments + positions
    perm = jnp.argsort(sort_keys)
    token_indices = perm // top_k
    dispatched = jnp.take(hidden_states, token_indices, axis=0)
    return dispatched, expert_indices, routing_weights

if __name__ == "__main__":
    import jax
    _d = setup_inputs()
    print(jax.jit(kernel)(*tuple(_d.values())))

</pallas_src>

<mosaic_0001>
#map = affine_map<(d0, d1) -> (0, 0)>
module attributes {stable_mosaic.version = 14 : i64} {
  func.func @dispatch(%arg0: i32, %arg1: i32, %arg2: memref<32768x1024xf32, #tpu.memory_space<hbm>>, %arg3: memref<512x64xi32, #tpu.memory_space<hbm>>, %arg4: memref<512x64xi32, #tpu.memory_space<hbm>>, %arg5: memref<65536x1024xf32, #tpu.memory_space<hbm>>, %arg6: memref<16x64xi32, #tpu.memory_space<vmem>>, %arg7: memref<16x64xi32, #tpu.memory_space<vmem>>, %arg8: memref<64x1024xf32, #tpu.memory_space<vmem>>, %arg9: memref<!tpu.dma_semaphore, #tpu.memory_space<semaphore_mem>>) attributes {dimension_semantics = [#tpu.dimension_semantics<core_parallel>, #tpu.dimension_semantics<subcore_parallel>], iteration_bounds = array<i64: 2, 16>, scalar_prefetch = 0 : i64, scratch_operands = 4 : i64, tpu.core_type = #tpu.core_type<sc_vector_subcore>, window_params = [{transform_indices = #map}, {transform_indices = #map}, {transform_indices = #map}, {transform_indices = #map}]} {
    %mul3A = arith.constant 2 : i32
    %mul3A_0 = arith.muli %arg1, %mul3A : i32
    %add3A = arith.addi %mul3A_0, %arg0 : i32
    %mul3A_1 = arith.constant 16 : i32
    %mul3A_2 = arith.muli %add3A, %mul3A_1 : i32
    "tpu.region"() ({
      %run_scoped3A = tpu.sem_alloc : memref<!tpu.dma_semaphore, #tpu.memory_space<semaphore_mem>>
      %dma_start3A = arith.constant 0 : i32
      %dma_start3A_10 = tpu.memref_slice %arg3[%mul3A_2, %dma_start3A] : memref<512x64xi32, #tpu.memory_space<hbm>> -> memref<16x64xi32, #tpu.memory_space<hbm>>
      %dma_start3A_11 = arith.constant 0 : i32
      %dma_start3A_12 = tpu.memref_slice %arg3[%mul3A_2, %dma_start3A_11] : memref<512x64xi32, #tpu.memory_space<hbm>> -> memref<16x64xi32, #tpu.memory_space<hbm>>
      tpu.enqueue_dma source(%dma_start3A_12 : memref<16x64xi32, #tpu.memory_space<hbm>>) target(%arg6 : memref<16x64xi32, #tpu.memory_space<vmem>>) target_semaphore(%run_scoped3A : memref<!tpu.dma_semaphore, #tpu.memory_space<semaphore_mem>>)
      %dma_wait3A = arith.constant 0 : i32
      %dma_wait3A_13 = tpu.memref_slice %arg3[%mul3A_2, %dma_wait3A] : memref<512x64xi32, #tpu.memory_space<hbm>> -> memref<16x64xi32, #tpu.memory_space<hbm>>
      %dma_wait3A_14 = arith.constant 0 : i32
      %dma_wait3A_15 = tpu.memref_slice %arg3[%mul3A_2, %dma_wait3A_14] : memref<512x64xi32, #tpu.memory_space<hbm>> -> memref<16x64xi32, #tpu.memory_space<hbm>>
      tpu.wait_dma2 semaphore(%run_scoped3A : memref<!tpu.dma_semaphore, #tpu.memory_space<semaphore_mem>>) src(%dma_wait3A_15 : memref<16x64xi32, #tpu.memory_space<hbm>>) dst(%arg6 : memref<16x64xi32, #tpu.memory_space<vmem>>)
      tpu.yield
    }) : () -> ()
    "tpu.region"() ({
      %run_scoped3A = tpu.sem_alloc : memref<!tpu.dma_semaphore, #tpu.memory_space<semaphore_mem>>
      %dma_start3A = arith.constant 0 : i32
      %dma_start3A_10 = tpu.memref_slice %arg4[%mul3A_2, %dma_start3A] : memref<512x64xi32, #tpu.memory_space<hbm>> -> memref<16x64xi32, #tpu.memory_space<hbm>>
      %dma_start3A_11 = arith.constant 0 : i32
      %dma_start3A_12 = tpu.memref_slice %arg4[%mul3A_2, %dma_start3A_11] : memref<512x64xi32, #tpu.memory_space<hbm>> -> memref<16x64xi32, #tpu.memory_space<hbm>>
      tpu.enqueue_dma source(%dma_start3A_12 : memref<16x64xi32, #tpu.memory_space<hbm>>) target(%arg7 : memref<16x64xi32, #tpu.memory_space<vmem>>) target_semaphore(%run_scoped3A : memref<!tpu.dma_semaphore, #tpu.memory_space<semaphore_mem>>)
      %dma_wait3A = arith.constant 0 : i32
      %dma_wait3A_13 = tpu.memref_slice %arg4[%mul3A_2, %dma_wait3A] : memref<512x64xi32, #tpu.memory_space<hbm>> -> memref<16x64xi32, #tpu.memory_space<hbm>>
      %dma_wait3A_14 = arith.constant 0 : i32
      %dma_wait3A_15 = tpu.memref_slice %arg4[%mul3A_2, %dma_wait3A_14] : memref<512x64xi32, #tpu.memory_space<hbm>> -> memref<16x64xi32, #tpu.memory_space<hbm>>
      tpu.wait_dma2 semaphore(%run_scoped3A : memref<!tpu.dma_semaphore, #tpu.memory_space<semaphore_mem>>) src(%dma_wait3A_15 : memref<16x64xi32, #tpu.memory_space<hbm>>) dst(%arg7 : memref<16x64xi32, #tpu.memory_space<vmem>>)
      tpu.yield
    }) : () -> ()
    %mul3A_3 = arith.constant 1024 : i32
    %mul3A_4 = arith.muli %add3A, %mul3A_3 : i32
    %scan3A = arith.constant 0 : i32
    %scan3A_5 = arith.constant 0 : i32
    %scan3A_6 = arith.constant 16 : i32
    %scan3A_7 = arith.addi %scan3A_5, %scan3A_6 : i32
    %scan3A_8 = arith.constant 1 : i32
    scf.for %scan3A_10 = %scan3A_5 to %scan3A_7 step %scan3A_8  : i32 {
      %mul3A_11 = arith.constant 64 : i32
      %mul3A_12 = arith.muli %scan3A_10, %mul3A_11 : i32
      %add3A_13 = arith.addi %mul3A_4, %mul3A_12 : i32
      "tpu.region"() ({
        %run_scoped3A = tpu.sem_alloc : memref<!tpu.dma_semaphore, #tpu.memory_space<semaphore_mem>>
        %dma_start3A_36 = arith.constant 0 : i32
        %dma_start3A_37 = tpu.memref_slice %arg2[%add3A_13, %dma_start3A_36] : memref<32768x1024xf32, #tpu.memory_space<hbm>> -> memref<64x1024xf32, #tpu.memory_space<hbm>>
        %dma_start3A_38 = arith.constant 0 : i32
        %dma_start3A_39 = tpu.memref_slice %arg2[%add3A_13, %dma_start3A_38] : memref<32768x1024xf32, #tpu.memory_space<hbm>> -> memref<64x1024xf32, #tpu.memory_space<hbm>>
        tpu.enqueue_dma source(%dma_start3A_39 : memref<64x1024xf32, #tpu.memory_space<hbm>>) target(%arg8 : memref<64x1024xf32, #tpu.memory_space<vmem>>) target_semaphore(%run_scoped3A : memref<!tpu.dma_semaphore, #tpu.memory_space<semaphore_mem>>)
        %dma_wait3A_40 = arith.constant 0 : i32
        %dma_wait3A_41 = tpu.memref_slice %arg2[%add3A_13, %dma_wait3A_40] : memref<32768x1024xf32, #tpu.memory_space<hbm>> -> memref<64x1024xf32, #tpu.memory_space<hbm>>
        %dma_wait3A_42 = arith.constant 0 : i32
        %dma_wait3A_43 = tpu.memref_slice %arg2[%add3A_13, %dma_wait3A_42] : memref<32768x1024xf32, #tpu.memory_space<hbm>> -> memref<64x1024xf32, #tpu.memory_space<hbm>>
        tpu.wait_dma2 semaphore(%run_scoped3A : memref<!tpu.dma_semaphore, #tpu.memory_space<semaphore_mem>>) src(%dma_wait3A_43 : memref<64x1024xf32, #tpu.memory_space<hbm>>) dst(%arg8 : memref<64x1024xf32, #tpu.memory_space<vmem>>)
        tpu.yield
      }) : () -> ()
      %dma_start3A = arith.constant 0 : i32
      %dma_start3A_14 = tpu.memref_slice %arg6[%scan3A_10, %dma_start3A] : memref<16x64xi32, #tpu.memory_space<vmem>> -> memref<1x64xi32, #tpu.memory_space<vmem>>
      %dma_start3A_15 = tpu.memref_squeeze %dma_start3A_14 : memref<1x64xi32, #tpu.memory_space<vmem>> -> memref<64xi32, #tpu.memory_space<vmem>>
      %dma_start3A_16 = arith.constant 0 : i32
      %dma_start3A_17 = arith.constant 0 : i32
      %dma_start3A_18 = tpu.memref_slice %arg5[%dma_start3A_16, %dma_start3A_17] : memref<65536x1024xf32, #tpu.memory_space<hbm>> -> memref<65536x1024xf32, #tpu.memory_space<hbm>>
      tpu.enqueue_indirect_dma source(%arg8 : memref<64x1024xf32, #tpu.memory_space<vmem>>) target(%dma_start3A_18 : memref<65536x1024xf32, #tpu.memory_space<hbm>>) offsets(%dma_start3A_15 : memref<64xi32, #tpu.memory_space<vmem>>) semaphore(%arg9 : memref<!tpu.dma_semaphore, #tpu.memory_space<semaphore_mem>>)
      %dma_start3A_19 = arith.constant 0 : i32
      %dma_start3A_20 = tpu.memref_slice %arg7[%scan3A_10, %dma_start3A_19] : memref<16x64xi32, #tpu.memory_space<vmem>> -> memref<1x64xi32, #tpu.memory_space<vmem>>
      %dma_start3A_21 = tpu.memref_squeeze %dma_start3A_20 : memref<1x64xi32, #tpu.memory_space<vmem>> -> memref<64xi32, #tpu.memory_space<vmem>>
      %dma_start3A_22 = arith.constant 0 : i32
      %dma_start3A_23 = arith.constant 0 : i32
      %dma_start3A_24 = tpu.memref_slice %arg5[%dma_start3A_22, %dma_start3A_23] : memref<65536x1024xf32, #tpu.memory_space<hbm>> -> memref<65536x1024xf32, #tpu.memory_space<hbm>>
      tpu.enqueue_indirect_dma source(%arg8 : memref<64x1024xf32, #tpu.memory_space<vmem>>) target(%dma_start3A_24 : memref<65536x1024xf32, #tpu.memory_space<hbm>>) offsets(%dma_start3A_21 : memref<64xi32, #tpu.memory_space<vmem>>) semaphore(%arg9 : memref<!tpu.dma_semaphore, #tpu.memory_space<semaphore_mem>>)
      %dma_wait3A = arith.constant 0 : i32
      %dma_wait3A_25 = tpu.memref_slice %arg6[%scan3A_10, %dma_wait3A] : memref<16x64xi32, #tpu.memory_space<vmem>> -> memref<1x64xi32, #tpu.memory_space<vmem>>
      %dma_wait3A_26 = tpu.memref_squeeze %dma_wait3A_25 : memref<1x64xi32, #tpu.memory_space<vmem>> -> memref<64xi32, #tpu.memory_space<vmem>>
      %dma_wait3A_27 = arith.constant 0 : i32
      %dma_wait3A_28 = arith.constant 0 : i32
      %dma_wait3A_29 = tpu.memref_slice %arg5[%dma_wait3A_27, %dma_wait3A_28] : memref<65536x1024xf32, #tpu.memory_space<hbm>> -> memref<65536x1024xf32, #tpu.memory_space<hbm>>
      tpu.wait_indirect_dma semaphore(%arg9 : memref<!tpu.dma_semaphore, #tpu.memory_space<semaphore_mem>>) src(%arg8 : memref<64x1024xf32, #tpu.memory_space<vmem>>) dst(%dma_wait3A_29 : memref<65536x1024xf32, #tpu.memory_space<hbm>>)
      %dma_wait3A_30 = arith.constant 0 : i32
      %dma_wait3A_31 = tpu.memref_slice %arg7[%scan3A_10, %dma_wait3A_30] : memref<16x64xi32, #tpu.memory_space<vmem>> -> memref<1x64xi32, #tpu.memory_space<vmem>>
      %dma_wait3A_32 = tpu.memref_squeeze %dma_wait3A_31 : memref<1x64xi32, #tpu.memory_space<vmem>> -> memref<64xi32, #tpu.memory_space<vmem>>
      %dma_wait3A_33 = arith.constant 0 : i32
      %dma_wait3A_34 = arith.constant 0 : i32
      %dma_wait3A_35 = tpu.memref_slice %arg5[%dma_wait3A_33, %dma_wait3A_34] : memref<65536x1024xf32, #tpu.memory_space<hbm>> -> memref<65536x1024xf32, #tpu.memory_space<hbm>>
      tpu.wait_indirect_dma semaphore(%arg9 : memref<!tpu.dma_semaphore, #tpu.memory_space<semaphore_mem>>) src(%arg8 : memref<64x1024xf32, #tpu.memory_space<vmem>>) dst(%dma_wait3A_35 : memref<65536x1024xf32, #tpu.memory_space<hbm>>)
    }
    %scan3A_9 = arith.constant 16 : i32
    return
  }
}

module attributes {stable_mosaic.version = 14 : i64} {
  func.func @_hist_body(%arg0: i32, %arg1: memref<4096x64xf32, #tpu.memory_space<vmem>>, %arg2: memref<64x64xf32, #tpu.memory_space<vmem>>, %arg3: memref<1x1x2xf32, #tpu.memory_space<vmem>>) attributes {dimension_semantics = [#tpu.dimension_semantics<arbitrary>], iteration_bounds = array<i64: 8>, scalar_prefetch = 0 : i64, scratch_operands = 0 : i64, tpu.core_type = #tpu.core_type<tc>, window_params = [{transform_indices = @transform_0, window_bounds = array<i64: 4096, 64>}, {transform_indices = @transform_1, window_bounds = array<i64: 64, 64>}, {transform_indices = @transform_2, window_bounds = array<i64: 1, 1, 2>}]} {
    %get3A = arith.constant 0 : index
    %get3A_0 = arith.constant 0 : index
    %get3A_1 = vector.load %arg1[%get3A, %get3A_0] : memref<4096x64xf32, #tpu.memory_space<vmem>>, vector<4096x64xf32>
    %iota3A = tpu.iota {dimensions = array<i32: 1>} : vector<4096x64xi32>
    %convert_element_type3A = arith.sitofp %iota3A : vector<4096x64xi32> to vector<4096x64xf32>
    %reduce_max3A = arith.constant dense<0xFF800000> : vector<4096xf32>
    %reduce_max3A_2 = vector.multi_reduction <maximumf>, %get3A_1, %reduce_max3A [1] : vector<4096x64xf32> to vector<4096xf32>
    %broadcast_in_dim3A = vector.shape_cast %reduce_max3A_2 : vector<4096xf32> to vector<4096x1xf32>
    %eq3A = vector.broadcast %broadcast_in_dim3A : vector<4096x1xf32> to vector<4096x64xf32>
    %eq3A_3 = arith.cmpf oeq, %get3A_1, %eq3A : vector<4096x64xf32>
    %jit3A = arith.constant 6.400000e+01 : f32
    %broadcast_in_dim3A_4 = vector.broadcast %jit3A : f32 to vector<4096x64xf32>
    %select_n3A = arith.select %eq3A_3, %convert_element_type3A, %broadcast_in_dim3A_4 : vector<4096x64xi1>, vector<4096x64xf32>
    %reduce_min3A = arith.constant dense<0x7F800000> : vector<4096xf32>
    %reduce_min3A_5 = vector.multi_reduction <minimumf>, %select_n3A, %reduce_min3A [1] : vector<4096x64xf32> to vector<4096xf32>
    %broadcast_in_dim3A_6 = vector.shape_cast %reduce_min3A_5 : vector<4096xf32> to vector<4096x1xf32>
    %eq3A_7 = vector.broadcast %broadcast_in_dim3A_6 : vector<4096x1xf32> to vector<4096x64xf32>
    %eq3A_8 = arith.cmpf oeq, %convert_element_type3A, %eq3A_7 : vector<4096x64xf32>
    %jit3A_9 = arith.constant 0xFF800000 : f32
    %broadcast_in_dim3A_10 = vector.broadcast %jit3A_9 : f32 to vector<4096x64xf32>
    %select_n3A_11 = arith.select %eq3A_8, %broadcast_in_dim3A_10, %get3A_1 : vector<4096x64xi1>, vector<4096x64xf32>
    %reduce_max3A_12 = arith.constant dense<0xFF800000> : vector<4096xf32>
    %reduce_max3A_13 = vector.multi_reduction <maximumf>, %select_n3A_11, %reduce_max3A_12 [1] : vector<4096x64xf32> to vector<4096xf32>
    %broadcast_in_dim3A_14 = vector.shape_cast %reduce_max3A_13 : vector<4096xf32> to vector<4096x1xf32>
    %eq3A_15 = vector.broadcast %broadcast_in_dim3A_14 : vector<4096x1xf32> to vector<4096x64xf32>
    %eq3A_16 = arith.cmpf oeq, %select_n3A_11, %eq3A_15 : vector<4096x64xf32>
    %jit3A_17 = arith.constant 6.400000e+01 : f32
    %broadcast_in_dim3A_18 = vector.broadcast %jit3A_17 : f32 to vector<4096x64xf32>
    %select_n3A_19 = arith.select %eq3A_16, %convert_element_type3A, %broadcast_in_dim3A_18 : vector<4096x64xi1>, vector<4096x64xf32>
    %reduce_min3A_20 = arith.constant dense<0x7F800000> : vector<4096xf32>
    %reduce_min3A_21 = vector.multi_reduction <minimumf>, %select_n3A_19, %reduce_min3A_20 [1] : vector<4096x64xf32> to vector<4096xf32>
    %broadcast_in_dim3A_22 = vector.shape_cast %reduce_min3A_5 : vector<4096xf32> to vector<4096x1xf32>
    %eq3A_23 = vector.broadcast %broadcast_in_dim3A_22 : vector<4096x1xf32> to vector<4096x64xf32>
    %eq3A_24 = arith.cmpf oeq, %convert_element_type3A, %eq3A_23 : vector<4096x64xf32>
    %convert_element_type3A_25 = arith.extui %eq3A_24 : vector<4096x64xi1> to vector<4096x64xi32>
    %convert_element_type3A_26 = arith.sitofp %convert_element_type3A_25 : vector<4096x64xi32> to vector<4096x64xf32>
    %broadcast_in_dim3A_27 = vector.shape_cast %reduce_min3A_21 : vector<4096xf32> to vector<4096x1xf32>
    %eq3A_28 = vector.broadcast %broadcast_in_dim3A_27 : vector<4096x1xf32> to vector<4096x64xf32>
    %eq3A_29 = arith.cmpf oeq, %convert_element_type3A, %eq3A_28 : vector<4096x64xf32>
    %convert_element_type3A_30 = arith.extui %eq3A_29 : vector<4096x64xi1> to vector<4096x64xi32>
    %convert_element_type3A_31 = arith.sitofp %convert_element_type3A_30 : vector<4096x64xi32> to vector<4096x64xf32>
    %add3A = arith.addf %convert_element_type3A_26, %convert_element_type3A_31 : vector<4096x64xf32>
    %reshape3A = vector.shape_cast %add3A : vector<4096x64xf32> to vector<64x64x64xf32>
    %reduce_sum3A = arith.constant dense<0.000000e+00> : vector<64x64xf32>
    %reduce_sum3A_32 = vector.multi_reduction <add>, %reshape3A, %reduce_sum3A [1] : vector<64x64x64xf32> to vector<64x64xf32>
    %swap3A = arith.constant 0 : index
    %swap3A_33 = arith.constant 0 : index
    %swap3A_34 = vector.load %arg2[%swap3A, %swap3A_33] : memref<64x64xf32, #tpu.memory_space<vmem>>, vector<64x64xf32>
    tpu.vector_store %arg2[%swap3A, %swap3A_33], %reduce_sum3A_32 {strides = array<i32>} : memref<64x64xf32, #tpu.memory_space<vmem>>, vector<64x64xf32>,
    %reduce_min3A_35 = vector.shape_cast %get3A_1 : vector<4096x64xf32> to vector<1x4096x64xf32>
    %reduce_min3A_36 = arith.constant dense<0x7F800000> : vector<1xf32>
    %reduce_min3A_37 = vector.multi_reduction <minimumf>, %reduce_min3A_35, %reduce_min3A_36 [1, 2] : vector<1x4096x64xf32> to vector<1xf32>
    %reduce_min3A_38 = vector.shape_cast %reduce_min3A_37 : vector<1xf32> to vector<1x1x1xf32>
    %reduce_min3A_39 = vector.extract %reduce_min3A_38[0, 0, 0] : f32 from vector<1x1x1xf32>
    %broadcast_in_dim3A_40 = vector.broadcast %reduce_min3A_39 : f32 to vector<1x1xf32>
    %reduce_max3A_41 = vector.shape_cast %get3A_1 : vector<4096x64xf32> to vector<1x4096x64xf32>
    %reduce_max3A_42 = arith.constant dense<0xFF800000> : vector<1xf32>
    %reduce_max3A_43 = vector.multi_reduction <maximumf>, %reduce_max3A_41, %reduce_max3A_42 [1, 2] : vector<1x4096x64xf32> to vector<1xf32>
    %reduce_max3A_44 = vector.shape_cast %reduce_max3A_43 : vector<1xf32> to vector<1x1x1xf32>
    %reduce_max3A_45 = vector.extract %reduce_max3A_44[0, 0, 0] : f32 from vector<1x1x1xf32>
    %broadcast_in_dim3A_46 = vector.broadcast %reduce_max3A_45 : f32 to vector<1x1xf32>
    %concatenate3A = tpu.concatenate %broadcast_in_dim3A_40, %broadcast_in_dim3A_46 in 1 : vector<1x1xf32>, vector<1x1xf32> -> vector<1x2xf32>
    %broadcast_in_dim3A_47 = vector.shape_cast %concatenate3A : vector<1x2xf32> to vector<1x1x2xf32>
    %swap3A_48 = arith.constant 0 : index
    %swap3A_49 = arith.constant 0 : index
    %swap3A_50 = arith.constant 0 : index
    %swap3A_51 = vector.load %arg3[%swap3A_48, %swap3A_49, %swap3A_50] : memref<1x1x2xf32, #tpu.memory_space<vmem>>, vector<1x1x2xf32>
    tpu.vector_store %arg3[%swap3A_48, %swap3A_49, %swap3A_50], %broadcast_in_dim3A_47 {strides = array<i32>} : memref<1x1x2xf32, #tpu.memory_space<vmem>>, vector<1x1x2xf32>,
    return
  }
  func.func @transform_0(%arg0: i32) -> (i32, i32) {
    %c0_i32 = arith.constant 0 : i32
    %c0_i32_0 = arith.constant 0 : i32
    return %arg0, %c0_i32 : i32, i32
  }
  func.func @transform_1(%arg0: i32) -> (i32, i32) {
    %c0_i32 = arith.constant 0 : i32
    %c0_i32_0 = arith.constant 0 : i32
    return %arg0, %c0_i32 : i32, i32
  }
  func.func @transform_2(%arg0: i32) -> (i32, i32, i32) {
    %c0_i32 = arith.constant 0 : i32
    %c0_i32_0 = arith.constant 0 : i32
    %c0_i32_1 = arith.constant 0 : i32
    return %arg0, %c0_i32, %c0_i32_0 : i32, i32, i32
  }
}

module attributes {stable_mosaic.version = 14 : i64} {
  func.func @_dest_body(%arg0: i32, %arg1: memref<4096x64xf32, #tpu.memory_space<vmem>>, %arg2: memref<512x64xf32, #tpu.memory_space<vmem>>, %arg3: memref<8x1x2xf32, #tpu.memory_space<vmem>>, %arg4: memref<4096x2xi32, #tpu.memory_space<vmem>>, %arg5: memref<4096x2xf32, #tpu.memory_space<vmem>>, %arg6: memref<64x64xi32, #tpu.memory_space<vmem>>, %arg7: memref<64x64xi32, #tpu.memory_space<vmem>>, %arg8: memref<512x64xf32, #tpu.memory_space<vmem>>, %arg9: memref<1xi32, #tpu.memory_space<smem>>) attributes {dimension_semantics = [#tpu.dimension_semantics<arbitrary>], iteration_bounds = array<i64: 8>, scalar_prefetch = 0 : i64, scratch_operands = 2 : i64, tpu.core_type = #tpu.core_type<tc>, window_params = [{transform_indices = @transform_0, window_bounds = array<i64: 4096, 64>}, {pipeline_mode = #tpu.pipeline_mode<synchronous>, transform_indices = @transform_1, window_bounds = array<i64: 512, 64>}, {pipeline_mode = #tpu.pipeline_mode<synchronous>, transform_indices = @transform_2, window_bounds = array<i64: 8, 1, 2>}, {transform_indices = @transform_3, window_bounds = array<i64: 4096, 2>}, {transform_indices = @transform_4, window_bounds = array<i64: 4096, 2>}, {transform_indices = @transform_5, window_bounds = array<i64: 64, 64>}, {transform_indices = @transform_6, window_bounds = array<i64: 64, 64>}]} {
    %eq3A = arith.constant 0 : i32
    %eq3A_0 = arith.cmpi eq, %arg0, %eq3A : i32
    %convert_element_type3A = arith.extui %eq3A_0 : i1 to i32
    %cond3A = arith.constant 0 : i32
    %cond3A_1 = arith.cmpi ne, %convert_element_type3A, %cond3A : i32
    scf.if %cond3A_1 {
      %get3A_120 = arith.constant 0 : index
      %get3A_121 = arith.constant 0 : index
      %get3A_122 = vector.load %arg2[%get3A_120, %get3A_121] : memref<512x64xf32, #tpu.memory_space<vmem>>, vector<512x64xf32>
      %broadcast_in_dim3A_123 = arith.constant 0.000000e+00 : f32
      %broadcast_in_dim3A_124 = vector.broadcast %broadcast_in_dim3A_123 : f32 to vector<1x64xf32>
      %slice3A_125 = vector.extract_strided_slice %get3A_122 {offsets = [0, 0], sizes = [511, 64], strides = [1, 1]} : vector<512x64xf32> to vector<511x64xf32>
      %concatenate3A_126 = tpu.concatenate %broadcast_in_dim3A_124, %slice3A_125 in 0 : vector<1x64xf32>, vector<511x64xf32> -> vector<512x64xf32>
      %add3A_127 = arith.addf %get3A_122, %concatenate3A_126 : vector<512x64xf32>
      %broadcast_in_dim3A_128 = arith.constant 0.000000e+00 : f32
      %broadcast_in_dim3A_129 = vector.broadcast %broadcast_in_dim3A_128 : f32 to vector<2x64xf32>
      %slice3A_130 = vector.extract_strided_slice %add3A_127 {offsets = [0, 0], sizes = [510, 64], strides = [1, 1]} : vector<512x64xf32> to vector<510x64xf32>
      %concatenate3A_131 = tpu.concatenate %broadcast_in_dim3A_129, %slice3A_130 in 0 : vector<2x64xf32>, vector<510x64xf32> -> vector<512x64xf32>
      %add3A_132 = arith.addf %add3A_127, %concatenate3A_131 : vector<512x64xf32>
      %broadcast_in_dim3A_133 = arith.constant 0.000000e+00 : f32
      %broadcast_in_dim3A_134 = vector.broadcast %broadcast_in_dim3A_133 : f32 to vector<4x64xf32>
      %slice3A_135 = vector.extract_strided_slice %add3A_132 {offsets = [0, 0], sizes = [508, 64], strides = [1, 1]} : vector<512x64xf32> to vector<508x64xf32>
      %concatenate3A_136 = tpu.concatenate %broadcast_in_dim3A_134, %slice3A_135 in 0 : vector<4x64xf32>, vector<508x64xf32> -> vector<512x64xf32>
      %add3A_137 = arith.addf %add3A_132, %concatenate3A_136 : vector<512x64xf32>
      %broadcast_in_dim3A_138 = arith.constant 0.000000e+00 : f32
      %broadcast_in_dim3A_139 = vector.broadcast %broadcast_in_dim3A_138 : f32 to vector<8x64xf32>
      %slice3A_140 = vector.extract_strided_slice %add3A_137 {offsets = [0, 0], sizes = [504, 64], strides = [1, 1]} : vector<512x64xf32> to vector<504x64xf32>
      %concatenate3A_141 = tpu.concatenate %broadcast_in_dim3A_139, %slice3A_140 in 0 : vector<8x64xf32>, vector<504x64xf32> -> vector<512x64xf32>
      %add3A_142 = arith.addf %add3A_137, %concatenate3A_141 : vector<512x64xf32>
      %broadcast_in_dim3A_143 = arith.constant 0.000000e+00 : f32
      %broadcast_in_dim3A_144 = vector.broadcast %broadcast_in_dim3A_143 : f32 to vector<16x64xf32>
      %slice3A_145 = vector.extract_strided_slice %add3A_142 {offsets = [0, 0], sizes = [496, 64], strides = [1, 1]} : vector<512x64xf32> to vector<496x64xf32>
      %concatenate3A_146 = tpu.concatenate %broadcast_in_dim3A_144, %slice3A_145 in 0 : vector<16x64xf32>, vector<496x64xf32> -> vector<512x64xf32>
      %add3A_147 = arith.addf %add3A_142, %concatenate3A_146 : vector<512x64xf32>
      %broadcast_in_dim3A_148 = arith.constant 0.000000e+00 : f32
      %broadcast_in_dim3A_149 = vector.broadcast %broadcast_in_dim3A_148 : f32 to vector<32x64xf32>
      %slice3A_150 = vector.extract_strided_slice %add3A_147 {offsets = [0, 0], sizes = [480, 64], strides = [1, 1]} : vector<512x64xf32> to vector<480x64xf32>
      %concatenate3A_151 = tpu.concatenate %broadcast_in_dim3A_149, %slice3A_150 in 0 : vector<32x64xf32>, vector<480x64xf32> -> vector<512x64xf32>
      %add3A_152 = arith.addf %add3A_147, %concatenate3A_151 : vector<512x64xf32>
      %broadcast_in_dim3A_153 = arith.constant 0.000000e+00 : f32
      %broadcast_in_dim3A_154 = vector.broadcast %broadcast_in_dim3A_153 : f32 to vector<64x64xf32>
      %slice3A_155 = vector.extract_strided_slice %add3A_152 {offsets = [0, 0], sizes = [448, 64], strides = [1, 1]} : vector<512x64xf32> to vector<448x64xf32>
      %concatenate3A_156 = tpu.concatenate %broadcast_in_dim3A_154, %slice3A_155 in 0 : vector<64x64xf32>, vector<448x64xf32> -> vector<512x64xf32>
      %add3A_157 = arith.addf %add3A_152, %concatenate3A_156 : vector<512x64xf32>
      %broadcast_in_dim3A_158 = arith.constant 0.000000e+00 : f32
      %broadcast_in_dim3A_159 = vector.broadcast %broadcast_in_dim3A_158 : f32 to vector<128x64xf32>
      %slice3A_160 = vector.extract_strided_slice %add3A_157 {offsets = [0, 0], sizes = [384, 64], strides = [1, 1]} : vector<512x64xf32> to vector<384x64xf32>
      %concatenate3A_161 = tpu.concatenate %broadcast_in_dim3A_159, %slice3A_160 in 0 : vector<128x64xf32>, vector<384x64xf32> -> vector<512x64xf32>
      %add3A_162 = arith.addf %add3A_157, %concatenate3A_161 : vector<512x64xf32>
      %broadcast_in_dim3A_163 = arith.constant 0.000000e+00 : f32
      %broadcast_in_dim3A_164 = vector.broadcast %broadcast_in_dim3A_163 : f32 to vector<256x64xf32>
      %slice3A_165 = vector.extract_strided_slice %add3A_162 {offsets = [0, 0], sizes = [256, 64], strides = [1, 1]} : vector<512x64xf32> to vector<256x64xf32>
      %concatenate3A_166 = tpu.concatenate %broadcast_in_dim3A_164, %slice3A_165 in 0 : vector<256x64xf32>, vector<256x64xf32> -> vector<512x64xf32>
      %add3A_167 = arith.addf %add3A_162, %concatenate3A_166 : vector<512x64xf32>
      %sub3A_168 = arith.subf %add3A_167, %get3A_122 : vector<512x64xf32>
      %slice3A_169 = vector.extract_strided_slice %add3A_167 {offsets = [511, 0], sizes = [1, 64], strides = [1, 1]} : vector<512x64xf32> to vector<1x64xf32>
      %broadcast_in_dim3A_170 = arith.constant 0.000000e+00 : f32
      %broadcast_in_dim3A_171 = vector.broadcast %broadcast_in_dim3A_170 : f32 to vector<1x1xf32>
      %slice3A_172 = vector.extract_strided_slice %slice3A_169 {offsets = [0, 0], sizes = [1, 63], strides = [1, 1]} : vector<1x64xf32> to vector<1x63xf32>
      %concatenate3A_173 = tpu.concatenate %broadcast_in_dim3A_171, %slice3A_172 in 1 : vector<1x1xf32>, vector<1x63xf32> -> vector<1x64xf32>
      %add3A_174 = arith.addf %slice3A_169, %concatenate3A_173 : vector<1x64xf32>
      %broadcast_in_dim3A_175 = arith.constant 0.000000e+00 : f32
      %broadcast_in_dim3A_176 = vector.broadcast %broadcast_in_dim3A_175 : f32 to vector<1x2xf32>
      %slice3A_177 = vector.extract_strided_slice %add3A_174 {offsets = [0, 0], sizes = [1, 62], strides = [1, 1]} : vector<1x64xf32> to vector<1x62xf32>
      %concatenate3A_178 = tpu.concatenate %broadcast_in_dim3A_176, %slice3A_177 in 1 : vector<1x2xf32>, vector<1x62xf32> -> vector<1x64xf32>
      %add3A_179 = arith.addf %add3A_174, %concatenate3A_178 : vector<1x64xf32>
      %broadcast_in_dim3A_180 = arith.constant 0.000000e+00 : f32
      %broadcast_in_dim3A_181 = vector.broadcast %broadcast_in_dim3A_180 : f32 to vector<1x4xf32>
      %slice3A_182 = vector.extract_strided_slice %add3A_179 {offsets = [0, 0], sizes = [1, 60], strides = [1, 1]} : vector<1x64xf32> to vector<1x60xf32>
      %concatenate3A_183 = tpu.concatenate %broadcast_in_dim3A_181, %slice3A_182 in 1 : vector<1x4xf32>, vector<1x60xf32> -> vector<1x64xf32>
      %add3A_184 = arith.addf %add3A_179, %concatenate3A_183 : vector<1x64xf32>
      %broadcast_in_dim3A_185 = arith.constant 0.000000e+00 : f32
      %broadcast_in_dim3A_186 = vector.broadcast %broadcast_in_dim3A_185 : f32 to vector<1x8xf32>
      %slice3A_187 = vector.extract_strided_slice %add3A_184 {offsets = [0, 0], sizes = [1, 56], strides = [1, 1]} : vector<1x64xf32> to vector<1x56xf32>
      %concatenate3A_188 = tpu.concatenate %broadcast_in_dim3A_186, %slice3A_187 in 1 : vector<1x8xf32>, vector<1x56xf32> -> vector<1x64xf32>
      %add3A_189 = arith.addf %add3A_184, %concatenate3A_188 : vector<1x64xf32>
      %broadcast_in_dim3A_190 = arith.constant 0.000000e+00 : f32
      %broadcast_in_dim3A_191 = vector.broadcast %broadcast_in_dim3A_190 : f32 to vector<1x16xf32>
      %slice3A_192 = vector.extract_strided_slice %add3A_189 {offsets = [0, 0], sizes = [1, 48], strides = [1, 1]} : vector<1x64xf32> to vector<1x48xf32>
      %concatenate3A_193 = tpu.concatenate %broadcast_in_dim3A_191, %slice3A_192 in 1 : vector<1x16xf32>, vector<1x48xf32> -> vector<1x64xf32>
      %add3A_194 = arith.addf %add3A_189, %concatenate3A_193 : vector<1x64xf32>
      %broadcast_in_dim3A_195 = arith.constant 0.000000e+00 : f32
      %broadcast_in_dim3A_196 = vector.broadcast %broadcast_in_dim3A_195 : f32 to vector<1x32xf32>
      %slice3A_197 = vector.extract_strided_slice %add3A_194 {offsets = [0, 0], sizes = [1, 32], strides = [1, 1]} : vector<1x64xf32> to vector<1x32xf32>
      %concatenate3A_198 = tpu.concatenate %broadcast_in_dim3A_196, %slice3A_197 in 1 : vector<1x32xf32>, vector<1x32xf32> -> vector<1x64xf32>
      %add3A_199 = arith.addf %add3A_194, %concatenate3A_198 : vector<1x64xf32>
      %sub3A_200 = arith.subf %add3A_199, %slice3A_169 : vector<1x64xf32>
      %add3A_201 = vector.broadcast %sub3A_200 : vector<1x64xf32> to vector<512x64xf32>
      %add3A_202 = arith.addf %sub3A_168, %add3A_201 : vector<512x64xf32>
      %swap3A_203 = arith.constant 0 : index
      %swap3A_204 = arith.constant 0 : index
      %swap3A_205 = vector.load %arg8[%swap3A_203, %swap3A_204] : memref<512x64xf32, #tpu.memory_space<vmem>>, vector<512x64xf32>
      tpu.vector_store %arg8[%swap3A_203, %swap3A_204], %add3A_202 {strides = array<i32>} : memref<512x64xf32, #tpu.memory_space<vmem>>, vector<512x64xf32>,
      %get3A_206 = arith.constant 0 : index
      %get3A_207 = arith.constant 0 : index
      %get3A_208 = arith.constant 0 : index
      %get3A_209 = vector.load %arg3[%get3A_206, %get3A_207, %get3A_208] : memref<8x1x2xf32, #tpu.memory_space<vmem>>, vector<8x1x2xf32>
      %slice3A_210 = vector.extract_strided_slice %get3A_209 {offsets = [0, 0, 0], sizes = [8, 1, 1], strides = [1, 1, 1]} : vector<8x1x2xf32> to vector<8x1x1xf32>
      %squeeze3A_211 = vector.shape_cast %slice3A_210 : vector<8x1x1xf32> to vector<8x1xf32>
      %reduce_min3A_212 = vector.shape_cast %squeeze3A_211 : vector<8x1xf32> to vector<1x8x1xf32>
      %reduce_min3A_213 = arith.constant dense<0x7F800000> : vector<1xf32>
      %reduce_min3A_214 = vector.multi_reduction <minimumf>, %reduce_min3A_212, %reduce_min3A_213 [1, 2] : vector<1x8x1xf32> to vector<1xf32>
      %reduce_min3A_215 = vector.shape_cast %reduce_min3A_214 : vector<1xf32> to vector<1x1x1xf32>
      %reduce_min3A_216 = vector.extract %reduce_min3A_215[0, 0, 0] : f32 from vector<1x1x1xf32>
      %lt3A = arith.constant 0.000000e+00 : f32
      %lt3A_217 = arith.cmpf olt, %reduce_min3A_216, %lt3A : f32
      %slice3A_218 = vector.extract_strided_slice %get3A_209 {offsets = [0, 0, 1], sizes = [8, 1, 1], strides = [1, 1, 1]} : vector<8x1x2xf32> to vector<8x1x1xf32>
      %squeeze3A_219 = vector.shape_cast %slice3A_218 : vector<8x1x1xf32> to vector<8x1xf32>
      %reduce_max3A_220 = vector.shape_cast %squeeze3A_219 : vector<8x1xf32> to vector<1x8x1xf32>
      %reduce_max3A_221 = arith.constant dense<0xFF800000> : vector<1xf32>
      %reduce_max3A_222 = vector.multi_reduction <maximumf>, %reduce_max3A_220, %reduce_max3A_221 [1, 2] : vector<1x8x1xf32> to vector<1xf32>
      %reduce_max3A_223 = vector.shape_cast %reduce_max3A_222 : vector<1xf32> to vector<1x1x1xf32>
      %reduce_max3A_224 = vector.extract %reduce_max3A_223[0, 0, 0] : f32 from vector<1x1x1xf32>
      %gt3A = arith.constant 1.000000e+00 : f32
      %gt3A_225 = arith.cmpf ogt, %reduce_max3A_224, %gt3A : f32
      %or3A = arith.ori %lt3A_217, %gt3A_225 : i1
      %convert_element_type3A_226 = arith.extui %or3A : i1 to i32
      %swap3A_227 = arith.constant 0 : index
      %swap3A_228 = memref.load %arg9[%swap3A_227] : memref<1xi32, #tpu.memory_space<smem>>
      memref.store %convert_element_type3A_226, %arg9[%swap3A_227] : memref<1xi32, #tpu.memory_space<smem>>
    } else {
    }
    %get3A = arith.constant 0 : index
    %get3A_2 = arith.constant 0 : index
    %get3A_3 = vector.load %arg1[%get3A, %get3A_2] : memref<4096x64xf32, #tpu.memory_space<vmem>>, vector<4096x64xf32>
    %iota3A = tpu.iota {dimensions = array<i32: 1>} : vector<4096x64xi32>
    %convert_element_type3A_4 = arith.sitofp %iota3A : vector<4096x64xi32> to vector<4096x64xf32>
    %reduce_max3A = arith.constant dense<0xFF800000> : vector<4096xf32>
    %reduce_max3A_5 = vector.multi_reduction <maximumf>, %get3A_3, %reduce_max3A [1] : vector<4096x64xf32> to vector<4096xf32>
    %broadcast_in_dim3A = vector.shape_cast %reduce_max3A_5 : vector<4096xf32> to vector<4096x1xf32>
    %eq3A_6 = vector.broadcast %broadcast_in_dim3A : vector<4096x1xf32> to vector<4096x64xf32>
    %eq3A_7 = arith.cmpf oeq, %get3A_3, %eq3A_6 : vector<4096x64xf32>
    %jit3A = arith.constant 6.400000e+01 : f32
    %broadcast_in_dim3A_8 = vector.broadcast %jit3A : f32 to vector<4096x64xf32>
    %select_n3A = arith.select %eq3A_7, %convert_element_type3A_4, %broadcast_in_dim3A_8 : vector<4096x64xi1>, vector<4096x64xf32>
    %reduce_min3A = arith.constant dense<0x7F800000> : vector<4096xf32>
    %reduce_min3A_9 = vector.multi_reduction <minimumf>, %select_n3A, %reduce_min3A [1] : vector<4096x64xf32> to vector<4096xf32>
    %broadcast_in_dim3A_10 = vector.shape_cast %reduce_min3A_9 : vector<4096xf32> to vector<4096x1xf32>
    %eq3A_11 = vector.broadcast %broadcast_in_dim3A_10 : vector<4096x1xf32> to vector<4096x64xf32>
    %eq3A_12 = arith.cmpf oeq, %convert_element_type3A_4, %eq3A_11 : vector<4096x64xf32>
    %jit3A_13 = arith.constant 0xFF800000 : f32
    %broadcast_in_dim3A_14 = vector.broadcast %jit3A_13 : f32 to vector<4096x64xf32>
    %select_n3A_15 = arith.select %eq3A_12, %broadcast_in_dim3A_14, %get3A_3 : vector<4096x64xi1>, vector<4096x64xf32>
    %reduce_max3A_16 = arith.constant dense<0xFF800000> : vector<4096xf32>
    %reduce_max3A_17 = vector.multi_reduction <maximumf>, %select_n3A_15, %reduce_max3A_16 [1] : vector<4096x64xf32> to vector<4096xf32>
    %broadcast_in_dim3A_18 = vector.shape_cast %reduce_max3A_17 : vector<4096xf32> to vector<4096x1xf32>
    %eq3A_19 = vector.broadcast %broadcast_in_dim3A_18 : vector<4096x1xf32> to vector<4096x64xf32>
    %eq3A_20 = arith.cmpf oeq, %select_n3A_15, %eq3A_19 : vector<4096x64xf32>
    %jit3A_21 = arith.constant 6.400000e+01 : f32
    %broadcast_in_dim3A_22 = vector.broadcast %jit3A_21 : f32 to vector<4096x64xf32>
    %select_n3A_23 = arith.select %eq3A_20, %convert_element_type3A_4, %broadcast_in_dim3A_22 : vector<4096x64xi1>, vector<4096x64xf32>
    %reduce_min3A_24 = arith.constant dense<0x7F800000> : vector<4096xf32>
    %reduce_min3A_25 = vector.multi_reduction <minimumf>, %select_n3A_23, %reduce_min3A_24 [1] : vector<4096x64xf32> to vector<4096xf32>
    %get3A_26 = arith.constant 0 : index
    %get3A_27 = memref.load %arg9[%get3A_26] : memref<1xi32, #tpu.memory_space<smem>>
    %eq3A_28 = arith.constant 1 : i32
    %eq3A_29 = arith.cmpi eq, %get3A_27, %eq3A_28 : i32
    %squeeze3A = vector.shape_cast %broadcast_in_dim3A : vector<4096x1xf32> to vector<4096xf32>
    %squeeze3A_30 = vector.shape_cast %broadcast_in_dim3A_18 : vector<4096x1xf32> to vector<4096xf32>
    %sub3A = arith.subf %squeeze3A_30, %squeeze3A : vector<4096xf32>
    %exp3A = math.exp %sub3A : vector<4096xf32>
    %add3A = arith.addf %squeeze3A, %squeeze3A_30 : vector<4096xf32>
    %add3A_31 = arith.constant 1.000000e+00 : f32
    %add3A_32 = vector.broadcast %add3A_31 : f32 to vector<4096xf32>
    %add3A_33 = arith.addf %add3A_32, %exp3A : vector<4096xf32>
    %div3A = arith.constant 1.000000e+00 : f32
    %div3A_34 = vector.broadcast %div3A : f32 to vector<4096xf32>
    %div3A_35 = arith.divf %div3A_34, %add3A_33 : vector<4096xf32>
    %div3A_36 = arith.divf %squeeze3A, %add3A : vector<4096xf32>
    %select_n3A_37 = arith.select %eq3A_29, %div3A_35, %div3A_36 : vector<4096xf32>
    %sub3A_38 = arith.constant 1.000000e+00 : f32
    %sub3A_39 = vector.broadcast %sub3A_38 : f32 to vector<4096xf32>
    %sub3A_40 = arith.subf %sub3A_39, %select_n3A_37 : vector<4096xf32>
    %broadcast_in_dim3A_41 = vector.shape_cast %reduce_min3A_9 : vector<4096xf32> to vector<4096x1xf32>
    %broadcast_in_dim3A_42 = vector.shape_cast %reduce_min3A_25 : vector<4096xf32> to vector<4096x1xf32>
    %concatenate3A = tpu.concatenate %broadcast_in_dim3A_41, %broadcast_in_dim3A_42 in 1 : vector<4096x1xf32>, vector<4096x1xf32> -> vector<4096x2xf32>
    %convert_element_type3A_43 = arith.fptosi %concatenate3A : vector<4096x2xf32> to vector<4096x2xi32>
    %swap3A = arith.constant 0 : index
    %swap3A_44 = arith.constant 0 : index
    %swap3A_45 = vector.load %arg4[%swap3A, %swap3A_44] : memref<4096x2xi32, #tpu.memory_space<vmem>>, vector<4096x2xi32>
    tpu.vector_store %arg4[%swap3A, %swap3A_44], %convert_element_type3A_43 {strides = array<i32>} : memref<4096x2xi32, #tpu.memory_space<vmem>>, vector<4096x2xi32>,
    %broadcast_in_dim3A_46 = vector.shape_cast %select_n3A_37 : vector<4096xf32> to vector<4096x1xf32>
    %broadcast_in_dim3A_47 = vector.shape_cast %sub3A_40 : vector<4096xf32> to vector<4096x1xf32>
    %concatenate3A_48 = tpu.concatenate %broadcast_in_dim3A_46, %broadcast_in_dim3A_47 in 1 : vector<4096x1xf32>, vector<4096x1xf32> -> vector<4096x2xf32>
    %swap3A_49 = arith.constant 0 : index
    %swap3A_50 = arith.constant 0 : index
    %swap3A_51 = vector.load %arg5[%swap3A_49, %swap3A_50] : memref<4096x2xf32, #tpu.memory_space<vmem>>, vector<4096x2xf32>
    tpu.vector_store %arg5[%swap3A_49, %swap3A_50], %concatenate3A_48 {strides = array<i32>} : memref<4096x2xf32, #tpu.memory_space<vmem>>, vector<4096x2xf32>,
    %broadcast_in_dim3A_52 = vector.shape_cast %reduce_min3A_9 : vector<4096xf32> to vector<4096x1xf32>
    %eq3A_53 = vector.broadcast %broadcast_in_dim3A_52 : vector<4096x1xf32> to vector<4096x64xf32>
    %eq3A_54 = arith.cmpf oeq, %convert_element_type3A_4, %eq3A_53 : vector<4096x64xf32>
    %convert_element_type3A_55 = arith.extui %eq3A_54 : vector<4096x64xi1> to vector<4096x64xi32>
    %convert_element_type3A_56 = arith.sitofp %convert_element_type3A_55 : vector<4096x64xi32> to vector<4096x64xf32>
    %broadcast_in_dim3A_57 = vector.shape_cast %reduce_min3A_25 : vector<4096xf32> to vector<4096x1xf32>
    %eq3A_58 = vector.broadcast %broadcast_in_dim3A_57 : vector<4096x1xf32> to vector<4096x64xf32>
    %eq3A_59 = arith.cmpf oeq, %convert_element_type3A_4, %eq3A_58 : vector<4096x64xf32>
    %convert_element_type3A_60 = arith.extui %eq3A_59 : vector<4096x64xi1> to vector<4096x64xi32>
    %convert_element_type3A_61 = arith.sitofp %convert_element_type3A_60 : vector<4096x64xi32> to vector<4096x64xf32>
    %add3A_62 = arith.addf %convert_element_type3A_56, %convert_element_type3A_61 : vector<4096x64xf32>
    %reshape3A = vector.shape_cast %add3A_62 : vector<4096x64xf32> to vector<64x64x64xf32>
    %broadcast_in_dim3A_63 = arith.constant 0.000000e+00 : f32
    %broadcast_in_dim3A_64 = vector.broadcast %broadcast_in_dim3A_63 : f32 to vector<64x1x64xf32>
    %slice3A = vector.extract_strided_slice %reshape3A {offsets = [0, 0, 0], sizes = [64, 63, 64], strides = [1, 1, 1]} : vector<64x64x64xf32> to vector<64x63x64xf32>
    %concatenate3A_65 = tpu.concatenate %broadcast_in_dim3A_64, %slice3A in 1 : vector<64x1x64xf32>, vector<64x63x64xf32> -> vector<64x64x64xf32>
    %add3A_66 = arith.addf %reshape3A, %concatenate3A_65 : vector<64x64x64xf32>
    %broadcast_in_dim3A_67 = arith.constant 0.000000e+00 : f32
    %broadcast_in_dim3A_68 = vector.broadcast %broadcast_in_dim3A_67 : f32 to vector<64x2x64xf32>
    %slice3A_69 = vector.extract_strided_slice %add3A_66 {offsets = [0, 0, 0], sizes = [64, 62, 64], strides = [1, 1, 1]} : vector<64x64x64xf32> to vector<64x62x64xf32>
    %concatenate3A_70 = tpu.concatenate %broadcast_in_dim3A_68, %slice3A_69 in 1 : vector<64x2x64xf32>, vector<64x62x64xf32> -> vector<64x64x64xf32>
    %add3A_71 = arith.addf %add3A_66, %concatenate3A_70 : vector<64x64x64xf32>
    %broadcast_in_dim3A_72 = arith.constant 0.000000e+00 : f32
    %broadcast_in_dim3A_73 = vector.broadcast %broadcast_in_dim3A_72 : f32 to vector<64x4x64xf32>
    %slice3A_74 = vector.extract_strided_slice %add3A_71 {offsets = [0, 0, 0], sizes = [64, 60, 64], strides = [1, 1, 1]} : vector<64x64x64xf32> to vector<64x60x64xf32>
    %concatenate3A_75 = tpu.concatenate %broadcast_in_dim3A_73, %slice3A_74 in 1 : vector<64x4x64xf32>, vector<64x60x64xf32> -> vector<64x64x64xf32>
    %add3A_76 = arith.addf %add3A_71, %concatenate3A_75 : vector<64x64x64xf32>
    %broadcast_in_dim3A_77 = arith.constant 0.000000e+00 : f32
    %broadcast_in_dim3A_78 = vector.broadcast %broadcast_in_dim3A_77 : f32 to vector<64x8x64xf32>
    %slice3A_79 = vector.extract_strided_slice %add3A_76 {offsets = [0, 0, 0], sizes = [64, 56, 64], strides = [1, 1, 1]} : vector<64x64x64xf32> to vector<64x56x64xf32>
    %concatenate3A_80 = tpu.concatenate %broadcast_in_dim3A_78, %slice3A_79 in 1 : vector<64x8x64xf32>, vector<64x56x64xf32> -> vector<64x64x64xf32>
    %add3A_81 = arith.addf %add3A_76, %concatenate3A_80 : vector<64x64x64xf32>
    %broadcast_in_dim3A_82 = arith.constant 0.000000e+00 : f32
    %broadcast_in_dim3A_83 = vector.broadcast %broadcast_in_dim3A_82 : f32 to vector<64x16x64xf32>
    %slice3A_84 = vector.extract_strided_slice %add3A_81 {offsets = [0, 0, 0], sizes = [64, 48, 64], strides = [1, 1, 1]} : vector<64x64x64xf32> to vector<64x48x64xf32>
    %concatenate3A_85 = tpu.concatenate %broadcast_in_dim3A_83, %slice3A_84 in 1 : vector<64x16x64xf32>, vector<64x48x64xf32> -> vector<64x64x64xf32>
    %add3A_86 = arith.addf %add3A_81, %concatenate3A_85 : vector<64x64x64xf32>
    %broadcast_in_dim3A_87 = arith.constant 0.000000e+00 : f32
    %broadcast_in_dim3A_88 = vector.broadcast %broadcast_in_dim3A_87 : f32 to vector<64x32x64xf32>
    %slice3A_89 = vector.extract_strided_slice %add3A_86 {offsets = [0, 0, 0], sizes = [64, 32, 64], strides = [1, 1, 1]} : vector<64x64x64xf32> to vector<64x32x64xf32>
    %concatenate3A_90 = tpu.concatenate %broadcast_in_dim3A_88, %slice3A_89 in 1 : vector<64x32x64xf32>, vector<64x32x64xf32> -> vector<64x64x64xf32>
    %add3A_91 = arith.addf %add3A_86, %concatenate3A_90 : vector<64x64x64xf32>
    %sub3A_92 = arith.subf %add3A_91, %reshape3A : vector<64x64x64xf32>
    %mul3A = arith.constant 64 : i32
    %mul3A_93 = arith.muli %arg0, %mul3A : i32
    %get3A_94 = arith.index_cast %mul3A_93 : i32 to index
    %get3A_95 = arith.constant 0 : index
    %get3A_96 = vector.load %arg8[%get3A_94, %get3A_95] : memref<512x64xf32, #tpu.memory_space<vmem>>, vector<64x64xf32>
    %broadcast_in_dim3A_97 = vector.shape_cast %get3A_96 : vector<64x64xf32> to vector<64x1x64xf32>
    %add3A_98 = vector.broadcast %broadcast_in_dim3A_97 : vector<64x1x64xf32> to vector<64x64x64xf32>
    %add3A_99 = arith.addf %sub3A_92, %add3A_98 : vector<64x64x64xf32>
    %reshape3A_100 = vector.shape_cast %convert_element_type3A_56 : vector<4096x64xf32> to vector<64x64x64xf32>
    %mul3A_101 = arith.mulf %add3A_99, %reshape3A_100 : vector<64x64x64xf32>
    %reduce_sum3A = arith.constant dense<0.000000e+00> : vector<64x64xf32>
    %reduce_sum3A_102 = vector.multi_reduction <add>, %mul3A_101, %reduce_sum3A [2] : vector<64x64x64xf32> to vector<64x64xf32>
    %reshape3A_103 = vector.shape_cast %convert_element_type3A_61 : vector<4096x64xf32> to vector<64x64x64xf32>
    %mul3A_104 = arith.mulf %add3A_99, %reshape3A_103 : vector<64x64x64xf32>
    %reduce_sum3A_105 = arith.constant dense<0.000000e+00> : vector<64x64xf32>
    %reduce_sum3A_106 = vector.multi_reduction <add>, %mul3A_104, %reduce_sum3A_105 [2] : vector<64x64x64xf32> to vector<64x64xf32>
    %eq3A_107 = arith.cmpf oeq, %reduce_min3A_9, %reduce_min3A_25 : vector<4096xf32>
    %convert_element_type3A_108 = arith.extui %eq3A_107 : vector<4096xi1> to vector<4096xi32>
    %convert_element_type3A_109 = arith.sitofp %convert_element_type3A_108 : vector<4096xi32> to vector<4096xf32>
    %reshape3A_110 = vector.shape_cast %convert_element_type3A_109 : vector<4096xf32> to vector<64x64xf32>
    %add3A_111 = arith.addf %reduce_sum3A_106, %reshape3A_110 : vector<64x64xf32>
    %convert_element_type3A_112 = arith.fptosi %reduce_sum3A_102 : vector<64x64xf32> to vector<64x64xi32>
    %swap3A_113 = arith.constant 0 : index
    %swap3A_114 = arith.constant 0 : index
    %swap3A_115 = vector.load %arg6[%swap3A_113, %swap3A_114] : memref<64x64xi32, #tpu.memory_space<vmem>>, vector<64x64xi32>
    tpu.vector_store %arg6[%swap3A_113, %swap3A_114], %convert_element_type3A_112 {strides = array<i32>} : memref<64x64xi32, #tpu.memory_space<vmem>>, vector<64x64xi32>,
    %convert_element_type3A_116 = arith.fptosi %add3A_111 : vector<64x64xf32> to vector<64x64xi32>
    %swap3A_117 = arith.constant 0 : index
    %swap3A_118 = arith.constant 0 : index
    %swap3A_119 = vector.load %arg7[%swap3A_117, %swap3A_118] : memref<64x64xi32, #tpu.memory_space<vmem>>, vector<64x64xi32>
    tpu.vector_store %arg7[%swap3A_117, %swap3A_118], %convert_element_type3A_116 {strides = array<i32>} : memref<64x64xi32, #tpu.memory_space<vmem>>, vector<64x64xi32>,
    return
  }
  func.func @transform_0(%arg0: i32) -> (i32, i32) {
    %c0_i32 = arith.constant 0 : i32
    %c0_i32_0 = arith.constant 0 : i32
    return %arg0, %c0_i32 : i32, i32
  }
  func.func @transform_1(%arg0: i32) -> (i32, i32) {
    %c0_i32 = arith.constant 0 : i32
    %c0_i32_0 = arith.constant 0 : i32
    %c0_i32_1 = arith.constant 0 : i32
    return %c0_i32, %c0_i32_0 : i32, i32
  }
  func.func @transform_2(%arg0: i32) -> (i32, i32, i32) {
    %c0_i32 = arith.constant 0 : i32
    %c0_i32_0 = arith.constant 0 : i32
    %c0_i32_1 = arith.constant 0 : i32
    %c0_i32_2 = arith.constant 0 : i32
    return %c0_i32, %c0_i32_0, %c0_i32_1 : i32, i32, i32
  }
  func.func @transform_3(%arg0: i32) -> (i32, i32) {
    %c0_i32 = arith.constant 0 : i32
    %c0_i32_0 = arith.constant 0 : i32
    return %arg0, %c0_i32 : i32, i32
  }
  func.func @transform_4(%arg0: i32) -> (i32, i32) {
    %c0_i32 = arith.constant 0 : i32
    %c0_i32_0 = arith.constant 0 : i32
    return %arg0, %c0_i32 : i32, i32
  }
  func.func @transform_5(%arg0: i32) -> (i32, i32) {
    %c0_i32 = arith.constant 0 : i32
    %c0_i32_0 = arith.constant 0 : i32
    return %arg0, %c0_i32 : i32, i32
  }
  func.func @transform_6(%arg0: i32) -> (i32, i32) {
    %c0_i32 = arith.constant 0 : i32
    %c0_i32_0 = arith.constant 0 : i32
    return %arg0, %c0_i32 : i32, i32
  }
}

</mosaic_0001>

<sc_bundles>
// kernel: kernel.5.cloned.1.call-start
scs
__scs_entry_jumppad:
0x0: {  	(pc) =	sbr.rel $0x88, $3  }
0x1: {  	(tag) =	ssettag $0x0;
	lr =	simm.s32 $0x1  }
0x2: {  	[smem:$0x3F9F] =	sst lr;
	_ =	strace $0xD0000000  }
0x3: {  	_ = 	snop  }
0x4: {  	_ = 	snop  }
0x5: {  	_ = 	snop  }
0x6: {  	_ = 	snop  }
0x7: {  	_ = 	snop  }
__scs_overlays_trampoline_lowered:
0x8: {  	[smem:$0x3FAE] =	sst s0  }
0x9: {  	[smem:$0x3FAF] =	sst s1  }
0xa: {  	[smem:$0x3FB0] =	sst s2  }
0xb: {  	[smem:$0x3FB1] =	sst s3  }
0xc: {  	[smem:$0x3FB2] =	sst s4  }
0xd: {  	[smem:$0x3FB3] =	sst s5  }
0xe: {  	[smem:$0x3FB4] =	sst s6  }
0xf: {  	[smem:$0x3FB5] =	sst s7  }
0x10: {  	[smem:$0x3FB6] =	sst s8  }
0x11: {  	[smem:$0x3FB7] =	sst s9;
	s0 =	simm.s32 @!p0 $0x0  }
0x12: {  	s1 =	sld [smem:$0x3F9D];
	s0 =	simm.s32 @p0 $0x1  }
0x13: {  	[smem:$0x3FB8] =	sst s0;
	s0 =	simm.s32 @!p1 $0x0  }
0x14: {  	s2 =	sld [smem:$0x3F9C];
	s0 =	simm.s32 @p1 $0x1  }
0x15: {  	[smem:$0x3FB9] =	sst s0;
	s0 =	simm.s32 @!p2 $0x0  }
0x16: {  	s3 =	sld [smem:$0x3FDB];
	s0 =	simm.s32 @p2 $0x1  }
0x17: {  	s4 =	simm.s32 $0x1BF5;
	[smem:$0x3FBB] =	sst s0  }
0x18: {  	s0 =	sld [smem:$0x3F9E];
	_ =	swait.ge [sflag:s4], $0x0  }
0x19: {  	s7 =	sld [smem:$0x3F9F]  }
0x1a: {  	s8 =	sadd.s32 $0xFFFFE003, lr  }
0x1b: {  	s9 =	sadd.s32 $0xFFFFFEF7, lr;
	s5 =	simm.s32 $0xFFFFFFFF;
	p2 =	slt.u32 s8, $0xFFFFF086  }
0x1c: {  	p1 =	slt.u32 s9, $0xF7A;
	s5 =	simm.s32 @!p2 $0x0  }
0x1d: {  	s5 =	simm.s32 @p1 $0x1;
	p0 =	seq.s32 s7, s2  }
0x1e: {  	s7 =	smul.u32 @!p0 $0xF7A, s2;
	p2 =	seq.s32 @!p0 s5, $0x0  }
0x1f: {  	s9 =	smul.u32 $0xF7A, s1;
	s8 =	simm.s32 @!p0 $0x1BF5;
	p2 =	por !p2, p0  }
0x20: {  	[sflag:s8] =	ssyncset.s32 @!p0 $0xFFFFF086;
	s6 =	sadd.s32 @!p0 s3, s7;
	s7 =	simm.s32 @!p0 $0x108  }
0x21: {  	s3 =	sadd.s32 s3, s9;
	s6 =	sadd.s32 @!p0 $0x88, s6;
	s7 =	simm.s32 @p2 $0x1082  }
0x22: {  	[simem:s7], [sflag:s8] =	dma.local @!p0 [hbm:s6], $0xF7A  }
0x23: {  	s9 =	sor.u32 $0xD0000000, s2;
	s6 =	simm.s32 $0x108;
	_ =	swait.ge @!p0 [sflag:s8], $0x0  }
0x24: {  	s3 =	sadd.s32 $0x88, s3;
	s6 =	simm.s32 @!p1 $0x1082;
	[sflag:s4] =	ssyncset.s32 $0xFFFFF086  }
0x25: {  	[simem:s6], [sflag:s4] =	dma.local [hbm:s3], $0xF7A  }
0x26: {  	[smem:$0x3F9F] =	sst s1;
	(tag) =	ssettag s2;
	_ =	strace s9  }
0x27: {  	s1 =	sld [smem:$0x3FAF]  }
0x28: {  	s2 =	sld [smem:$0x3FB0]  }
0x29: {  	s4 =	sld [smem:$0x3FB2]  }
0x2a: {  	p0 =	seq.s32 s5, $0x0;
	s5 =	sld [smem:$0x3FB3]  }
0x2b: {  	s6 =	sld [smem:$0x3FB4]  }
0x2c: {  	s7 =	sld [smem:$0x3FB5]  }
0x2d: {  	s3 =	simm.s32 $0x108;
	s8 =	sld [smem:$0x3FB6]  }
0x2e: {  	s3 =	simm.s32 @!p0 $0x1082;
	s9 =	sld [smem:$0x3FB7]  }
0x2f: {  	lr =	sadd.s32 s0, s3;
	s0 =	sld [smem:$0x3FAE]  }
0x30: {  	s3 =	sld [smem:$0x3FB1]  }
0x31: {  	[smem:$0x3FBA] =	sst s10  }
0x32: {  	s10 =	sld [smem:$0x3FB8];
	_ =	sdelay $0x3  }
0x33: {  	p0 =	seq.s32 s10, $0x1;
	s10 =	sld [smem:$0x3FBA];
	_ =	sdelay $0x3  }
0x34: {  	[smem:$0x3FBA] =	sst s10  }
0x35: {  	s10 =	sld [smem:$0x3FB9];
	_ =	sdelay $0x3  }
0x36: {  	p1 =	seq.s32 s10, $0x1;
	s10 =	sld [smem:$0x3FBA];
	_ =	sdelay $0x3  }
0x37: {  	[smem:$0x3FBA] =	sst s10  }
0x38: {  	s10 =	sld [smem:$0x3FBB]  }
0x39: {  	_ = 	snop;
	(pc) =	sbr.ind lr, $3  }
0x3a: {  	_ = 	snop  }
0x3b: {  	_ = 	snop  }
0x3c: {  	p2 =	seq.s32 s10, $0x1;
	s10 =	sld [smem:$0x3FBA]  }
0x3d: {  	_ =	shalt  }
0x3e: {  	_ =	shalt  }
0x3f: {  	_ =	shalt  }
0x40: {  	_ =	shalt  }
0x41: {  	_ =	shalt  }
0x42: {  	_ =	shalt  }
0x43: {  	_ =	shalt  }
0x44: {  	_ =	shalt  }
0x45: {  	_ =	shalt  }
0x46: {  	_ =	shalt  }
0x47: {  	_ =	shalt  }
0x48: {  	_ =	shalt  }
0x49: {  	_ =	shalt  }
0x4a: {  	_ =	shalt  }
0x4b: {  	_ =	shalt  }
0x4c: {  	_ =	shalt  }
0x4d: {  	_ =	shalt  }
0x4e: {  	_ =	shalt  }
0x4f: {  	_ =	shalt  }
0x50: {  	_ =	shalt  }
0x51: {  	_ =	shalt  }
0x52: {  	_ =	shalt  }
0x53: {  	_ =	shalt  }
0x54: {  	_ =	shalt  }
0x55: {  	_ =	shalt  }
0x56: {  	_ =	shalt  }
0x57: {  	_ =	shalt  }
0x58: {  	_ =	shalt  }
0x59: {  	_ =	shalt  }
0x5a: {  	_ =	shalt  }
0x5b: {  	_ =	shalt  }
0x5c: {  	_ =	shalt  }
0x5d: {  	_ =	shalt  }
0x5e: {  	_ =	shalt  }
0x5f: {  	_ =	shalt  }
0x60: {  	_ =	shalt  }
0x61: {  	_ =	shalt  }
0x62: {  	_ =	shalt  }
0x63: {  	_ =	shalt  }
0x64: {  	_ =	shalt  }
0x65: {  	_ =	shalt  }
0x66: {  	_ =	shalt  }
0x67: {  	_ =	shalt  }
0x68: {  	_ =	shalt  }
0x69: {  	_ =	shalt  }
0x6a: {  	_ =	shalt  }
0x6b: {  	_ =	shalt  }
0x6c: {  	_ =	shalt  }
0x6d: {  	_ =	shalt  }
0x6e: {  	_ =	shalt  }
0x6f: {  	_ =	shalt  }
0x70: {  	_ =	shalt  }
0x71: {  	_ =	shalt  }
0x72: {  	_ =	shalt  }
0x73: {  	_ =	shalt  }
0x74: {  	_ =	shalt  }
0x75: {  	_ =	shalt  }
0x76: {  	_ =	shalt  }
0x77: {  	_ =	shalt  }
0x78: {  	_ =	shalt  }
0x79: {  	_ =	shalt  }
0x7a: {  	_ =	shalt  }
0x7b: {  	_ =	shalt  }
0x7c: {  	_ =	shalt  }
0x7d: {  	_ =	shalt  }
0x7e: {  	_ =	shalt  }
0x7f: {  	_ =	shalt  }
0x80: {  	_ =	shalt  }
0x81: {  	_ =	shalt  }
0x82: {  	_ =	shalt  }
0x83: {  	_ =	shalt  }
0x84: {  	_ =	shalt  }
0x85: {  	_ =	shalt  }
0x86: {  	_ =	shalt  }
0x87: {  	_ =	shalt  }
.Lfunc_end0:
.L_simem_size_0:
called_computation_lowered:
.L_overlay_start_0:
0x88: {  	s2 =	sld [smem:$0x3FD9]  }
0x89: {  	s3 =	sld [smem:$0x3FFE];
	_ =	sdelay $0x1  }
0x8a: {  	s1 =	srdreg.scid  }
0x8b: {  	s0 =	sand.u32 $0x1, s1  }
0x8c: {  	s14 =	sshll.u32 s0, $0xA;
	s2 =	sadd.s32 s3, s2  }
0x8d: {  	s2 =	sadd.s32 s2, s14  }
0x8e: {  	[smem:$0x3FC6] =	sst s2  }
0x8f: {  	_ = 	snop  }
0x90: {  	s2 =	sld [smem:$0x3FD0];
	_ =	sdelay $0x2  }
0x91: {  	s4 =	simm.s32 $0xA;
	s5 =	simm.s32 $0x10;
	s15 =	sld [smem:$0x3FC9]  }
0x92: {  	[smem:s5], [sflag:s4] =	dma.local [hbm:s2], $0x1  }
0x93: {  	_ =	swait.eq [sflag:s4], $0x1  }
0x94: {  	[sflag:s4] =	ssyncset.done $0x0  }
0x95: {  	[sflag:s4] =	ssyncadd.s32 $0xFFFFFFFF  }
0x96: {  	s16 =	sld [smem:$0x10];
	(tm) =	ssettm $0x1  }
0x97: {  	s17 =	sld [smem:$0x3FFB];
	_ =	sdelay $0x3  }
0x98: {  	_ =	strace s17  }
0x99: {  	s4 =	sld [smem:$0x3FFC];
	_ =	sdelay $0x3  }
0x9a: {  	_ =	strace s4  }
0x9b: {  	s4 =	sld [smem:$0x3FFD];
	_ =	sdelay $0x3  }
0x9c: {  	_ =	strace s4  }
0x9d: {  	_ =	strace $0x8FFFFFFF  }
0x9e: {  	s18 =	sld [smem:$0x3FDB];
	_ =	sdelay $0x1  }
0x9f: {  	s19 =	simm.s32 $_scs_section_size  }
0xa0: {  	s6 =	simm.s32 $_size__tile_overlayer_lowered;
	s7 =	simm.s32 $_tile_overlayer_lowered  }
0xa1: {  	s22 =	simm.s32 $0x1BFF;
	s21 =	sshll.u32 s7, $0x1;
	s4 =	sadd.s32 s19, s18  }
0xa2: {  	s8 =	simm.s32 $0x0;
	s20 =	sshll.u32 s6, $0x1;
	s6 =	sadd.s32 s21, s4  }
0xa3: {  	[timem:s8], [sflag:s22] =	dma.local [hbm:s6], s20  }
0xa4: {  	_ =	swait.ge [sflag:s22], s20  }
0xa5: {  	s5 =	ssub.s32 $0x0, s20;
	[sflag:s22] =	ssyncset.done $0x0  }
0xa6: {  	[sflag:s22] =	ssyncadd.s32 s5;
	_ =	sdelay $0x1  }
0xa7: {  	s23 =	simm.s32 $0x1B8B  }
0xa8: {  	_ =	swait.ge [sflag:s23], $0x1  }
0xa9: {  	[sflag:s23] =	ssyncset.done $0x0  }
0xaa: {  	s25 =	simm.s32 $0x1B8E;
	s24 =	sld [smem:$0x3FFE];
	[sflag:s23] =	ssyncadd.s32 $0xFFFFFFFF  }
0xab: {  	s26 =	simm.s32 $execute0_lowered;
	[smem:$0x3FD2] =	sst s25  }
0xac: {  	s6 =	sshll.u32 s26, $0x1;
	_ =	strace $0x80000046;
	[dreg:$0x1] =	wrdreg $0xFFFFFFFF  }
0xad: {  	s28 =	simm.s32 $_size_execute0_lowered;
	s4 =	sadd.s32 s4, s6;
	[dreg:$0x0] =	wrdreg $0x0  }
0xae: {  	s6 =	sshll.u32 s28, $0x1;
	[dreg:$0x2] =	wrdreg s4  }
0xaf: {  	[dreg:$0x3] =	wrdreg s6  }
0xb0: {  	[dreg:$0x4] =	wrdreg $0xC0  }
0xb1: {  	_ =	task [dreg:s8], $0x5FFFF  }
0xb2: {  	[dreg:$0x1] =	wrdreg $0xFFFFFFFF  }
0xb3: {  	[dreg:$0x0] =	wrdreg $0x60  }
0xb4: {  	[dreg:$0x2] =	wrdreg s15  }
0xb5: {  	[dreg:$0x3] =	wrdreg s24  }
0xb6: {  	[dreg:$0x4] =	wrdreg s16  }
0xb7: {  	[dreg:$0x5] =	wrdreg $0x9  }
0xb8: {  	_ =	task.clear_ibuf [dreg:s8], $0x6FFFF;
	_ =	strace $0x90000046  }
0xb9: {  	s29 =	simm.s32 $0x9;
	_ =	strace $0x80000048  }
0xba: {  	_ =	swait.ge [sflag:s29], $0x1  }
0xbb: {  	[sflag:s29] =	ssyncadd.s32 $0xFFFFFFFF  }
0xbc: {  	_ =	strace $0x90000048  }
0xbd: {  	_ =	sfence  }
0xbe: {  	s30 =	sld [smem:$0x0];
	_ =	sdelay $0x2  }
0xbf: {  	s31 =	sshll.u32 s1, $0xD;
	s1 =	sshrl.u32 s1, $0x2  }
0xc0: {  	s3 =	sand.u32 $0x4000, s31;
	s1 =	sadd.s32 s1, s30  }
0xc1: {  	s0 =	sor.u32 s3, s0;
	s1 =	sshll.u32 s1, $0x11  }
0xc2: {  	s0 =	sor.u32 s1, s0  }
0xc3: {  	s0 =	sadd.s32 $0x8F2B, s0  }
0xc4: {  	[sflag:s0] =	ssyncadd.remote.s32 $0x1  }
0xc5: {  	_ =	sfence.sel $0xFFFF  }
0xc6: {  	[dreg:$0x0] =	wrdreg $0xFFFFFFFF;
	(pc) =	sbr.abs _section_cstart, $3  }
0xc7: {  	[dreg:$0x1] =	wrdreg $0xFFFFFFFF  }
0xc8: {  	_ =	task.clear_ibuf [dreg:s8], $0x2FFFF;
	_ =	strace $0x9FFFFFFF  }
0xc9: {  	(tm) =	ssettm $0x7FFFFFFF  }
tec
execute0_lowered:
.L_overlay_start_1:
0x0: {  	(tag) =	ssettag $0x1  }
0x1: {  	s0 =	rddreg [dreg:$0x0]  }
0x2: {  	s1 =	rddreg [dreg:$0x1];
	s3 =	srdreg.scid  }
0x3: {  	s2 =	rddreg [dreg:$0x2];
	s7 =	stileid.u32  }
0x4: {  	s12 =	simm.s32 $0x1800;
	s9 =	simm.s32 $0x3000;
	s10 =	simm.s32 $0x3800  }
0x5: {  	s14 =	simm.s32 $0x4000;
	s15 =	simm.s32 $0x4800;
	s16 =	simm.s32 $0x5000  }
0x6: {  	s17 =	simm.s32 $0x5800;
	s18 =	simm.s32 $0x6000;
	s19 =	simm.s32 $0x6800  }
0x7: {  	s20 =	simm.s32 $0x7000;
	s28 =	simm.s32 $0x8800;
	s13 =	simm.s32 $0x9000  }
0x8: {  	s11 =	simm.s32 $0x9800;
	s21 =	simm.s32 $0xA800;
	s29 =	simm.s32 $0xB000  }
0x9: {  	s4 =	sand.u32 $0x1, s3;
	s5 =	sshll.u32 s7, $0x9;
	s3 =	simm.s32 $0x0  }
0xa: {  	s26 =	sshll.u32 s7, $0x12;
	s7 =	sadd.s32 $0x200, s2;
	s8 =	sadd.s32 $0x300, s2  }
0xb: {  	s6 =	sshll.u32 s4, $0x8;
	s23 =	ssub.s32 $0x2, s4;
	[smem:$0x7FF] =	sst s3  }
0xc: {  	s0 =	sadd.s32 s26, s0;
	s30 =	sshll.u32 s4, $0x11;
	s4 =	simm.s32 $0x2  }
0xd: {  	s26 =	simm.s32 $0x8000;
	s5 =	sor.u32 s6, s5;
	s24 =	sshrl.u32 s23, $0x1  }
0xe: {  	_ =	strace $0x80000047;
	s0 =	sadd.s32 s30, s0;
	s1 =	sadd.s32 s5, s1  }
0xf: {  	s6 =	sadd.s32 $0x100, s2;
	[dreg:$0x7] =	wrdreg s0;
	s25 =	sadd.s32 $0x81200, s1  }
0x10: {  	v2 =	vlaneseq.u32;
	s5 =	ssub.s32 s23, s24;
	s1 =	sadd.s32 $0x83200, s1;
	[dreg:$0x4] =	wrdreg s25  }
0x11: {  	vm0 =	vmmov $0xffff;
	v1 =	vshrl.u32 v2, $0x3;
	s0 =	simm.s32 $0x0;
	s31 =	smax.u32 s5, $0x1;
	[dreg:$0x5] =	wrdreg s1  }
0x12: {  	v0 =	vand.u32 $0x7, v2;
	v2 =	vor.u32 $0x8, v2;
	v1 =	vmul.u32 $0x8, v1;
	[dreg:$0x6] =	wrdreg s31;
	s1 =	simm.s32 $0x1000;
	s25 =	simm.s32 $0x7800  }
.LBB2_1:
0x13: {  	[dreg:$0x8] =	wrdreg s0  }
0x14: {  	s22 =	rddreg [dreg:$0x4]  }
0x15: {  	[tilespmem:s3], [sflag:$0x2] =	stream.linear.gather [hbm4b:s22+s3], $0x800, $0x38;
	[tilespmem:$0x11000] =	vst v63  }
0x16: {  	_ =	swait.ge [sflag:s4], $0x800  }
0x17: {  	[sflag:s4] =	ssyncset.done $0x0  }
0x18: {  	s23 =	simm.s32 $0x800;
	s31 =	rddreg [dreg:$0x5];
	[sflag:s4] =	ssyncadd.s32 $0xFFFFF800  }
0x19: {  	[tilespmem:s23], [sflag:$0x2] =	stream.linear.gather [hbm4b:s31+s3], $0x800, $0x38;
	[tilespmem:$0x11000] =	vst v63  }
0x1a: {  	_ =	swait.ge [sflag:s4], $0x800  }
0x1b: {  	[sflag:s4] =	ssyncset.done $0x0  }
0x1c: {  	s23 =	simm.s32 $0x0;
	s22 =	rddreg [dreg:$0x7];
	[sflag:s4] =	ssyncadd.s32 $0xFFFFF800  }
.LBB2_2:
0x1d: {  	[tilespmem:s1], [sflag:$0x2] =	stream.linear.gather [hbm4b:s22+s3], $0x10000, $0x38;
	[tilespmem:$0x11000] =	vst v63  }
0x1e: {  	_ =	swait.ge [sflag:s4], $0x10000  }
0x1f: {  	[sflag:s4] =	ssyncset.done $0x0  }
0x20: {  	s24 =	sshra.s32 s23, $0x2;
	[sflag:s4] =	ssyncadd.s32 $0xFFFF0000  }
0x21: {  	v3 =	vld [tilespmem:s24+$0x0];
	_ =	sdelay $0x4  }
0x22: {  	v4 =	vshll.u32 v3, $0x3  }
0x23: {  	v3 =	vand.u32 $0x7, v3;
	v4 =	vand.u32 $0xFFFFFFC0, v4  }
0x24: {  	v3 =	vor.u32 v3, v4  }
0x25: {  	v4 =	vperm.xlane v3, v0;
	_ =	sdelay $0x1  }
0x26: {  	v4 =	vadd.s32 v1, v4;
	_ =	sdelay $0x3  }
0x27: {  	s5 =	simm.s32 $0x1000  }
0x28: {  	[hbm4b:s2+s3] =	stream.indirect_vreg.scatter [tilespmem:s5], [sflag:$0x1], $0x80, v4, vm0, $0xb8;
	[tilespmem:$0x11000] =	vst v63  }
0x29: {  	v3 =	vperm.xlane v3, v2  }
0x2a: {  	[hbm4b:s6+s3] =	stream.indirect_vreg.scatter [tilespmem:s12], [sflag:$0x1], $0x80, v4, vm0, $0xb8;
	[tilespmem:$0x11000] =	vst v63  }
0x2b: {  	s4 =	simm.s32 $0x2000;
	v3 =	vadd.s32 v1, v3  }
0x2c: {  	[hbm4b:s7+s3] =	stream.indirect_vreg.scatter [tilespmem:s4], [sflag:$0x1], $0x80, v4, vm0, $0xb8;
	[tilespmem:$0x11000] =	vst v63  }
0x2d: {  	s5 =	simm.s32 $0x2800  }
0x2e: {  	[hbm4b:s8+s3] =	stream.indirect_vreg.scatter [tilespmem:s5], [sflag:$0x1], $0x80, v4, vm0, $0xb8;
	[tilespmem:$0x11000] =	vst v63  }
0x2f: {  	_ = 	snop  }
0x30: {  	[hbm4b:s2+s3] =	stream.indirect_vreg.scatter [tilespmem:s9], [sflag:$0x1], $0x80, v3, vm0, $0xb8;
	[tilespmem:$0x11000] =	vst v63  }
0x31: {  	_ = 	snop  }
0x32: {  	[hbm4b:s6+s3] =	stream.indirect_vreg.scatter [tilespmem:s10], [sflag:$0x1], $0x80, v3, vm0, $0xb8;
	[tilespmem:$0x11000] =	vst v63  }
0x33: {  	_ = 	snop  }
0x34: {  	[hbm4b:s7+s3] =	stream.indirect_vreg.scatter [tilespmem:s14], [sflag:$0x1], $0x80, v3, vm0, $0xb8;
	[tilespmem:$0x11000] =	vst v63  }
0x35: {  	_ = 	snop  }
0x36: {  	[hbm4b:s8+s3] =	stream.indirect_vreg.scatter [tilespmem:s15], [sflag:$0x1], $0x80, v3, vm0, $0xb8;
	[tilespmem:$0x11000] =	vst v63  }
0x37: {  	v3 =	vld [tilespmem:s24+$0x10];
	_ =	sdelay $0x4  }
0x38: {  	v57 =	vshll.u32 v3, $0x3  }
0x39: {  	v3 =	vand.u32 $0x7, v3;
	v4 =	vand.u32 $0xFFFFFFC0, v57  }
0x3a: {  	v3 =	vor.u32 v3, v4  }
0x3b: {  	v4 =	vperm.xlane v3, v0;
	_ =	sdelay $0x1  }
0x3c: {  	v4 =	vadd.s32 v1, v4;
	_ =	sdelay $0x4  }
0x3d: {  	[hbm4b:s2+s3] =	stream.indirect_vreg.scatter [tilespmem:s16], [sflag:$0x1], $0x80, v4, vm0, $0xb8;
	[tilespmem:$0x11000] =	vst v63  }
0x3e: {  	v3 =	vperm.xlane v3, v2  }
0x3f: {  	[hbm4b:s6+s3] =	stream.indirect_vreg.scatter [tilespmem:s17], [sflag:$0x1], $0x80, v4, vm0, $0xb8;
	[tilespmem:$0x11000] =	vst v63  }
0x40: {  	v3 =	vadd.s32 v1, v3  }
0x41: {  	[hbm4b:s7+s3] =	stream.indirect_vreg.scatter [tilespmem:s18], [sflag:$0x1], $0x80, v4, vm0, $0xb8;
	[tilespmem:$0x11000] =	vst v63  }
0x42: {  	_ = 	snop  }
0x43: {  	[hbm4b:s8+s3] =	stream.indirect_vreg.scatter [tilespmem:s19], [sflag:$0x1], $0x80, v4, vm0, $0xb8;
	[tilespmem:$0x11000] =	vst v63  }
0x44: {  	_ = 	snop  }
0x45: {  	[hbm4b:s2+s3] =	stream.indirect_vreg.scatter [tilespmem:s20], [sflag:$0x1], $0x80, v3, vm0, $0xb8;
	[tilespmem:$0x11000] =	vst v63  }
0x46: {  	_ = 	snop  }
0x47: {  	[hbm4b:s6+s3] =	stream.indirect_vreg.scatter [tilespmem:s25], [sflag:$0x1], $0x80, v3, vm0, $0xb8;
	[tilespmem:$0x11000] =	vst v63  }
0x48: {  	_ = 	snop  }
0x49: {  	[hbm4b:s7+s3] =	stream.indirect_vreg.scatter [tilespmem:s26], [sflag:$0x1], $0x80, v3, vm0, $0xb8;
	[tilespmem:$0x11000] =	vst v63  }
0x4a: {  	_ = 	snop  }
0x4b: {  	[hbm4b:s8+s3] =	stream.indirect_vreg.scatter [tilespmem:s28], [sflag:$0x1], $0x80, v3, vm0, $0xb8;
	[tilespmem:$0x11000] =	vst v63  }
0x4c: {  	v3 =	vld [tilespmem:s24+$0x20];
	_ =	sdelay $0x4  }
0x4d: {  	v58 =	vshll.u32 v3, $0x3  }
0x4e: {  	v3 =	vand.u32 $0x7, v3;
	v4 =	vand.u32 $0xFFFFFFC0, v58  }
0x4f: {  	v3 =	vor.u32 v3, v4  }
0x50: {  	v4 =	vperm.xlane v3, v0;
	_ =	sdelay $0x1  }
0x51: {  	v4 =	vadd.s32 v1, v4;
	_ =	sdelay $0x4  }
0x52: {  	[hbm4b:s2+s3] =	stream.indirect_vreg.scatter [tilespmem:s13], [sflag:$0x1], $0x80, v4, vm0, $0xb8;
	[tilespmem:$0x11000] =	vst v63  }
0x53: {  	v3 =	vperm.xlane v3, v2  }
0x54: {  	[hbm4b:s6+s3] =	stream.indirect_vreg.scatter [tilespmem:s11], [sflag:$0x1], $0x80, v4, vm0, $0xb8;
	[tilespmem:$0x11000] =	vst v63  }
0x55: {  	s0 =	simm.s32 $0xA000;
	v3 =	vadd.s32 v1, v3  }
0x56: {  	[hbm4b:s7+s3] =	stream.indirect_vreg.scatter [tilespmem:s0], [sflag:$0x1], $0x80, v4, vm0, $0xb8;
	[tilespmem:$0x11000] =	vst v63  }
0x57: {  	_ = 	snop  }
0x58: {  	[hbm4b:s8+s3] =	stream.indirect_vreg.scatter [tilespmem:s21], [sflag:$0x1], $0x80, v4, vm0, $0xb8;
	[tilespmem:$0x11000] =	vst v63  }
0x59: {  	_ = 	snop  }
0x5a: {  	[hbm4b:s2+s3] =	stream.indirect_vreg.scatter [tilespmem:s29], [sflag:$0x1], $0x80, v3, vm0, $0xb8;
	[tilespmem:$0x11000] =	vst v63  }
0x5b: {  	s31 =	simm.s32 $0xB800  }
0x5c: {  	[hbm4b:s6+s3] =	stream.indirect_vreg.scatter [tilespmem:s31], [sflag:$0x1], $0x80, v3, vm0, $0xb8;
	[tilespmem:$0x11000] =	vst v63  }
0x5d: {  	s31 =	simm.s32 $0xC000  }
0x5e: {  	[hbm4b:s7+s3] =	stream.indirect_vreg.scatter [tilespmem:s31], [sflag:$0x1], $0x80, v3, vm0, $0xb8;
	[tilespmem:$0x11000] =	vst v63  }
0x5f: {  	s31 =	simm.s32 $0xC800  }
0x60: {  	[hbm4b:s8+s3] =	stream.indirect_vreg.scatter [tilespmem:s31], [sflag:$0x1], $0x80, v3, vm0, $0xb8;
	[tilespmem:$0x11000] =	vst v63  }
0x61: {  	v3 =	vld [tilespmem:s24+$0x30];
	_ =	sdelay $0x4  }
0x62: {  	v59 =	vshll.u32 v3, $0x3  }
0x63: {  	v3 =	vand.u32 $0x7, v3;
	v4 =	vand.u32 $0xFFFFFFC0, v59  }
0x64: {  	v3 =	vor.u32 v3, v4  }
0x65: {  	v4 =	vperm.xlane v3, v0;
	_ =	sdelay $0x1  }
0x66: {  	v4 =	vadd.s32 v1, v4;
	_ =	sdelay $0x3  }
0x67: {  	s1 =	simm.s32 $0xD000  }
0x68: {  	[hbm4b:s2+s3] =	stream.indirect_vreg.scatter [tilespmem:s1], [sflag:$0x1], $0x80, v4, vm0, $0xb8;
	[tilespmem:$0x11000] =	vst v63  }
0x69: {  	s31 =	simm.s32 $0xD800;
	v3 =	vperm.xlane v3, v2  }
0x6a: {  	[hbm4b:s6+s3] =	stream.indirect_vreg.scatter [tilespmem:s31], [sflag:$0x1], $0x80, v4, vm0, $0xb8;
	[tilespmem:$0x11000] =	vst v63  }
0x6b: {  	s30 =	simm.s32 $0xE000;
	v3 =	vadd.s32 v1, v3  }
0x6c: {  	[hbm4b:s7+s3] =	stream.indirect_vreg.scatter [tilespmem:s30], [sflag:$0x1], $0x80, v4, vm0, $0xb8;
	[tilespmem:$0x11000] =	vst v63  }
0x6d: {  	s30 =	simm.s32 $0xE800  }
0x6e: {  	[hbm4b:s8+s3] =	stream.indirect_vreg.scatter [tilespmem:s30], [sflag:$0x1], $0x80, v4, vm0, $0xb8;
	[tilespmem:$0x11000] =	vst v63  }
0x6f: {  	s31 =	simm.s32 $0xF000  }
0x70: {  	[hbm4b:s2+s3] =	stream.indirect_vreg.scatter [tilespmem:s31], [sflag:$0x1], $0x80, v3, vm0, $0xb8;
	[tilespmem:$0x11000] =	vst v63  }
0x71: {  	s31 =	simm.s32 $0xF800  }
0x72: {  	[hbm4b:s6+s3] =	stream.indirect_vreg.scatter [tilespmem:s31], [sflag:$0x1], $0x80, v3, vm0, $0xb8;
	[tilespmem:$0x11000] =	vst v63  }
0x73: {  	s1 =	simm.s32 $0x10000  }
0x74: {  	[hbm4b:s7+s3] =	stream.indirect_vreg.scatter [tilespmem:s1], [sflag:$0x1], $0x80, v3, vm0, $0xb8;
	[tilespmem:$0x11000] =	vst v63  }
0x75: {  	s1 =	simm.s32 $0x10800  }
0x76: {  	[hbm4b:s8+s3] =	stream.indirect_vreg.scatter [tilespmem:s1], [sflag:$0x1], $0x80, v3, vm0, $0xb8;
	[tilespmem:$0x11000] =	vst v63  }
0x77: {  	v3 =	vld [tilespmem:s24+$0x800];
	_ =	sdelay $0x4  }
0x78: {  	v60 =	vshll.u32 v3, $0x3  }
0x79: {  	v3 =	vand.u32 $0x7, v3;
	v4 =	vand.u32 $0xFFFFFFC0, v60  }
0x7a: {  	v3 =	vor.u32 v3, v4  }
0x7b: {  	v4 =	vperm.xlane v3, v0;
	_ =	sdelay $0x1  }
0x7c: {  	v4 =	vadd.s32 v1, v4;
	_ =	sdelay $0x3  }
0x7d: {  	s1 =	simm.s32 $0x1000  }
0x7e: {  	[hbm4b:s2+s3] =	stream.indirect_vreg.scatter [tilespmem:s1], [sflag:$0x1], $0x80, v4, vm0, $0xb8;
	[tilespmem:$0x11000] =	vst v63  }
0x7f: {  	v3 =	vperm.xlane v3, v2  }
0x80: {  	[hbm4b:s6+s3] =	stream.indirect_vreg.scatter [tilespmem:s12], [sflag:$0x1], $0x80, v4, vm0, $0xb8;
	[tilespmem:$0x11000] =	vst v63  }
0x81: {  	v3 =	vadd.s32 v1, v3  }
0x82: {  	[hbm4b:s7+s3] =	stream.indirect_vreg.scatter [tilespmem:s4], [sflag:$0x1], $0x80, v4, vm0, $0xb8;
	[tilespmem:$0x11000] =	vst v63  }
0x83: {  	_ = 	snop  }
0x84: {  	[hbm4b:s8+s3] =	stream.indirect_vreg.scatter [tilespmem:s5], [sflag:$0x1], $0x80, v4, vm0, $0xb8;
	[tilespmem:$0x11000] =	vst v63  }
0x85: {  	_ = 	snop  }
0x86: {  	[hbm4b:s2+s3] =	stream.indirect_vreg.scatter [tilespmem:s9], [sflag:$0x1], $0x80, v3, vm0, $0xb8;
	[tilespmem:$0x11000] =	vst v63  }
0x87: {  	_ = 	snop  }
0x88: {  	[hbm4b:s6+s3] =	stream.indirect_vreg.scatter [tilespmem:s10], [sflag:$0x1], $0x80, v3, vm0, $0xb8;
	[tilespmem:$0x11000] =	vst v63  }
0x89: {  	_ = 	snop  }
0x8a: {  	[hbm4b:s7+s3] =	stream.indirect_vreg.scatter [tilespmem:s14], [sflag:$0x1], $0x80, v3, vm0, $0xb8;
	[tilespmem:$0x11000] =	vst v63  }
0x8b: {  	_ = 	snop  }
0x8c: {  	[hbm4b:s8+s3] =	stream.indirect_vreg.scatter [tilespmem:s15], [sflag:$0x1], $0x80, v3, vm0, $0xb8;
	[tilespmem:$0x11000] =	vst v63  }
0x8d: {  	v3 =	vld [tilespmem:s24+$0x810];
	_ =	sdelay $0x4  }
0x8e: {  	v61 =	vshll.u32 v3, $0x3  }
0x8f: {  	v3 =	vand.u32 $0x7, v3;
	v4 =	vand.u32 $0xFFFFFFC0, v61  }
0x90: {  	v3 =	vor.u32 v3, v4  }
0x91: {  	v4 =	vperm.xlane v3, v0;
	_ =	sdelay $0x1  }
0x92: {  	v4 =	vadd.s32 v1, v4;
	_ =	sdelay $0x4  }
0x93: {  	[hbm4b:s2+s3] =	stream.indirect_vreg.scatter [tilespmem:s16], [sflag:$0x1], $0x80, v4, vm0, $0xb8;
	[tilespmem:$0x11000] =	vst v63  }
0x94: {  	v3 =	vperm.xlane v3, v2  }
0x95: {  	[hbm4b:s6+s3] =	stream.indirect_vreg.scatter [tilespmem:s17], [sflag:$0x1], $0x80, v4, vm0, $0xb8;
	[tilespmem:$0x11000] =	vst v63  }
0x96: {  	v3 =	vadd.s32 v1, v3  }
0x97: {  	[hbm4b:s7+s3] =	stream.indirect_vreg.scatter [tilespmem:s18], [sflag:$0x1], $0x80, v4, vm0, $0xb8;
	[tilespmem:$0x11000] =	vst v63  }
0x98: {  	_ = 	snop  }
0x99: {  	[hbm4b:s8+s3] =	stream.indirect_vreg.scatter [tilespmem:s19], [sflag:$0x1], $0x80, v4, vm0, $0xb8;
	[tilespmem:$0x11000] =	vst v63  }
0x9a: {  	_ = 	snop  }
0x9b: {  	[hbm4b:s2+s3] =	stream.indirect_vreg.scatter [tilespmem:s20], [sflag:$0x1], $0x80, v3, vm0, $0xb8;
	[tilespmem:$0x11000] =	vst v63  }
0x9c: {  	_ = 	snop  }
0x9d: {  	[hbm4b:s6+s3] =	stream.indirect_vreg.scatter [tilespmem:s25], [sflag:$0x1], $0x80, v3, vm0, $0xb8;
	[tilespmem:$0x11000] =	vst v63  }
0x9e: {  	_ = 	snop  }
0x9f: {  	[hbm4b:s7+s3] =	stream.indirect_vreg.scatter [tilespmem:s26], [sflag:$0x1], $0x80, v3, vm0, $0xb8;
	[tilespmem:$0x11000] =	vst v63  }
0xa0: {  	_ = 	snop  }
0xa1: {  	[hbm4b:s8+s3] =	stream.indirect_vreg.scatter [tilespmem:s28], [sflag:$0x1], $0x80, v3, vm0, $0xb8;
	[tilespmem:$0x11000] =	vst v63  }
0xa2: {  	v3 =	vld [tilespmem:s24+$0x820];
	_ =	sdelay $0x4  }
0xa3: {  	v62 =	vshll.u32 v3, $0x3  }
0xa4: {  	v3 =	vand.u32 $0x7, v3;
	v4 =	vand.u32 $0xFFFFFFC0, v62  }
0xa5: {  	v3 =	vor.u32 v3, v4  }
0xa6: {  	v4 =	vperm.xlane v3, v0;
	_ =	sdelay $0x1  }
0xa7: {  	v4 =	vadd.s32 v1, v4;
	_ =	sdelay $0x4  }
0xa8: {  	[hbm4b:s2+s3] =	stream.indirect_vreg.scatter [tilespmem:s13], [sflag:$0x1], $0x80, v4, vm0, $0xb8;
	[tilespmem:$0x11000] =	vst v63  }
0xa9: {  	v3 =	vperm.xlane v3, v2  }
0xaa: {  	[hbm4b:s6+s3] =	stream.indirect_vreg.scatter [tilespmem:s11], [sflag:$0x1], $0x80, v4, vm0, $0xb8;
	[tilespmem:$0x11000] =	vst v63  }
0xab: {  	v3 =	vadd.s32 v1, v3  }
0xac: {  	[hbm4b:s7+s3] =	stream.indirect_vreg.scatter [tilespmem:s0], [sflag:$0x1], $0x80, v4, vm0, $0xb8;
	[tilespmem:$0x11000] =	vst v63  }
0xad: {  	_ = 	snop  }
0xae: {  	[hbm4b:s8+s3] =	stream.indirect_vreg.scatter [tilespmem:s21], [sflag:$0x1], $0x80, v4, vm0, $0xb8;
	[tilespmem:$0x11000] =	vst v63  }
0xaf: {  	_ = 	snop  }
0xb0: {  	[hbm4b:s2+s3] =	stream.indirect_vreg.scatter [tilespmem:s29], [sflag:$0x1], $0x80, v3, vm0, $0xb8;
	[tilespmem:$0x11000] =	vst v63  }
0xb1: {  	s0 =	simm.s32 $0xB800  }
0xb2: {  	[hbm4b:s6+s3] =	stream.indirect_vreg.scatter [tilespmem:s0], [sflag:$0x1], $0x80, v3, vm0, $0xb8;
	[tilespmem:$0x11000] =	vst v63  }
0xb3: {  	s0 =	simm.s32 $0xC000  }
0xb4: {  	[hbm4b:s7+s3] =	stream.indirect_vreg.scatter [tilespmem:s0], [sflag:$0x1], $0x80, v3, vm0, $0xb8;
	[tilespmem:$0x11000] =	vst v63  }
0xb5: {  	s0 =	simm.s32 $0xC800  }
0xb6: {  	[hbm4b:s8+s3] =	stream.indirect_vreg.scatter [tilespmem:s0], [sflag:$0x1], $0x80, v3, vm0, $0xb8;
	[tilespmem:$0x11000] =	vst v63  }
0xb7: {  	v3 =	vld [tilespmem:s24+$0x830];
	_ =	sdelay $0x4  }
0xb8: {  	v63 =	vshll.u32 v3, $0x3  }
0xb9: {  	v3 =	vand.u32 $0x7, v3;
	v4 =	vand.u32 $0xFFFFFFC0, v63  }
0xba: {  	v3 =	vor.u32 v3, v4  }
0xbb: {  	v4 =	vperm.xlane v3, v0;
	_ =	sdelay $0x1  }
0xbc: {  	v4 =	vadd.s32 v1, v4;
	_ =	sdelay $0x3  }
0xbd: {  	s0 =	simm.s32 $0xD000  }
0xbe: {  	[hbm4b:s2+s3] =	stream.indirect_vreg.scatter [tilespmem:s0], [sflag:$0x1], $0x80, v4, vm0, $0xb8;
	[tilespmem:$0x11000] =	vst v63  }
0xbf: {  	v3 =	vperm.xlane v3, v2;
	s0 =	simm.s32 $0xD800  }
0xc0: {  	[hbm4b:s6+s3] =	stream.indirect_vreg.scatter [tilespmem:s0], [sflag:$0x1], $0x80, v4, vm0, $0xb8;
	[tilespmem:$0x11000] =	vst v63  }
0xc1: {  	s24 =	simm.s32 $0xE000;
	v3 =	vadd.s32 v1, v3  }
0xc2: {  	[hbm4b:s7+s3] =	stream.indirect_vreg.scatter [tilespmem:s24], [sflag:$0x1], $0x80, v4, vm0, $0xb8;
	[tilespmem:$0x11000] =	vst v63  }
0xc3: {  	_ = 	snop  }
0xc4: {  	[hbm4b:s8+s3] =	stream.indirect_vreg.scatter [tilespmem:s30], [sflag:$0x1], $0x80, v4, vm0, $0xb8;
	[tilespmem:$0x11000] =	vst v63  }
0xc5: {  	s0 =	simm.s32 $0xF000  }
0xc6: {  	[hbm4b:s2+s3] =	stream.indirect_vreg.scatter [tilespmem:s0], [sflag:$0x1], $0x80, v3, vm0, $0xb8;
	[tilespmem:$0x11000] =	vst v63  }
0xc7: {  	_ = 	snop  }
0xc8: {  	[hbm4b:s6+s3] =	stream.indirect_vreg.scatter [tilespmem:s31], [sflag:$0x1], $0x80, v3, vm0, $0xb8;
	[tilespmem:$0x11000] =	vst v63  }
0xc9: {  	s30 =	simm.s32 $0x10000  }
0xca: {  	[hbm4b:s7+s3] =	stream.indirect_vreg.scatter [tilespmem:s30], [sflag:$0x1], $0x80, v3, vm0, $0xb8;
	[tilespmem:$0x11000] =	vst v63  }
0xcb: {  	s5 =	simm.s32 $0x1;
	s31 =	simm.s32 $0x10800  }
0xcc: {  	[hbm4b:s8+s3] =	stream.indirect_vreg.scatter [tilespmem:s31], [sflag:$0x1], $0x80, v3, vm0, $0xb8;
	[tilespmem:$0x11000] =	vst v63  }
0xcd: {  	p0 =	sne.s32 s23, $0x1E00;
	_ =	swait.ge [sflag:s5], $0x10000  }
.Ltmp0:
0xce: {  	[sflag:s5] =	ssyncset.done $0x0;
	(pc) =	sbr.rel @p0 .LBB2_2-.Ltmp0, $4  }
0xcf: {  	[sflag:s5] =	ssyncadd.s32 $0xFFFF0000  }
0xd0: {  	_ =	swait.ge [sflag:s5], $0x10000  }
0xd1: {  	s22 =	sadd.s32 $0x2000, s22;
	[sflag:s5] =	ssyncset.done $0x0  }
0xd2: {  	s23 =	sadd.s32 $0x200, s23;
	s4 =	simm.s32 $0x2;
	[sflag:s5] =	ssyncadd.s32 $0xFFFF0000  }
0xd3: {  	s0 =	rddreg [dreg:$0x8]  }
0xd4: {  	s22 =	rddreg [dreg:$0x6];
	s0 =	sadd.s32 $0x1, s0  }
0xd5: {  	p0 =	sne.s32 s0, s22  }
.Ltmp1:
0xd6: {  	_ = 	snop;
	(pc) =	sbr.rel @p0 .LBB2_1-.Ltmp1, $1  }
0xd7: {  	_ =	sdelay $0x3  }
0xd8: {  	_ =	sfence.sel $0x180000  }
0xd9: {  	[bflag:$0x0] =	sbarrier.arrive $0xFFFF  }
0xda: {  	_ =	strace $0x90000047  }
0xdb: {  	s0 =	stileid.u32;
	[bflag:$0x2] =	sbarrier.arrive $0xFFFF  }
0xdc: {  	p0 =	sne.s32 s0, $0x0;
	s0 =	rddreg [dreg:$0x3]  }
0xdd: {  	s0 =	sadd.s32 @!p0 $0x100000, s0  }
0xde: {  	[sflag:s0] =	ssyncadd.tile.s32 @!p0 $0x1;
	_ =	shalt  }
.Lfunc_end2:
_tile_overlayer_lowered:
.L_overlay_start_2:
0xdf: {  	(tag) =	ssettag $0x2  }
0xe0: {  	s0 =	rddreg [dreg:$0x0];
	s2 =	stileid.u32  }
0xe1: {  	s1 =	rddreg [dreg:$0x1];
	p0 =	sne.s32 s2, $0x0  }
0xe2: {  	s3 =	rddreg [dreg:$0x2];
	[bflag:$0x3] =	sbarrier.arrive $0xFFFF;
	s2 =	simm.s32 @!p0 $0x1C02  }
0xe3: {  	[timem:s3], [sflag:s2] =	dma.local @!p0 [hbm:s0], s1  }
0xe4: {  	s0 =	simm.s32 @!p0 $0x2  }
0xe5: {  	_ =	swait.ge @!p0 [sflag:s0], s1  }
0xe6: {  	s1 =	ssub.s32 @!p0 $0x0, s1;
	[sflag:s0] =	ssyncset.done @!p0 $0x0  }
0xe7: {  	[sflag:s0] =	ssyncadd.s32 @!p0 s1  }
0xe8: {  	[bflag:$0x3] =	sbarrier.arrive $0xFFFF  }
0xe9: {  	_ =	shalt  }

</sc_bundles>
